<compile_context>
chip_gen: v7x
topology: tpu7x:2x2x1
jax: 0.10.2.dev20260603
libtpu: 0.0.44.dev20260713+nightly
codegen_flags: <defaults>
</compile_context>

<pallas_src>
import functools

import jax
import jax.numpy as jnp
from jax import lax
from jax.experimental import pallas as pl
from jax.experimental.pallas import tpu as pltpu
from jax.experimental.pallas import tpu_sc as plsc

_B, _S, _D = 4, 4096, 768
_A, _C = 8, 2
_K = 64
_TS = 512
_ST = _S // _TS
_SA = _S * _A
_NVROW = _SA // 16
_LDUMP = 80
_LSZ = 96



def _proj_kernel(x_ref, lab_ref, wr_ref, br_ref,
                 predict_ref, scores_ref, logits_ref):
    x = x_ref[0]
    logits = jnp.dot(x, wr_ref[...], preferred_element_type=jnp.float32) + br_ref[...]
    l0 = logits[:, :_A]
    l1 = logits[:, _A:]
    predict_ref[0] = jnp.where(l1 > l0, jnp.int32(1), jnp.int32(0))
    scores_ref[0] = jnp.where(lab_ref[0] == 1, jnp.float32(2.0), jax.nn.sigmoid(l1))
    logits_ref[0] = jnp.concatenate(
        [logits, jnp.zeros((_TS, 128 - 2 * _A), jnp.float32)], axis=1)


def _run_stage1(batch_input, anchor_labels, wr, br):
    return pl.pallas_call(
        _proj_kernel,
        grid=(_B, _ST),
        in_specs=[
            pl.BlockSpec((1, _TS, _D), lambda b_, s_: (b_, s_, 0)),
            pl.BlockSpec((1, _TS, _A), lambda b_, s_: (b_, s_, 0)),
            pl.BlockSpec((_D, 2 * _A), lambda b_, s_: (0, 0)),
            pl.BlockSpec((1, 2 * _A), lambda b_, s_: (0, 0)),
        ],
        out_specs=[
            pl.BlockSpec((1, _TS, _A), lambda b_, s_: (b_, s_, 0)),
            pl.BlockSpec((1, _TS, _A), lambda b_, s_: (b_, s_, 0)),
            pl.BlockSpec((1, _TS, 128), lambda b_, s_: (b_, s_, 0)),
        ],
        out_shape=(
            jax.ShapeDtypeStruct((_B, _S, _A), jnp.int32),
            jax.ShapeDtypeStruct((_B, _S, _A), jnp.float32),
            jax.ShapeDtypeStruct((_B, _S, 128), jnp.float32),
        ),
        compiler_params=pltpu.CompilerParams(
            dimension_semantics=("parallel", "parallel")),
    )(batch_input, anchor_labels, wr, br)



def _pick_kernel(labels_hbm, selpos_hbm, seltot_hbm,
                 lrow_v, list_v, tmp_v, cnt_v):
    cid = lax.axis_index("c")
    sid = lax.axis_index("s")
    batch = cid * 2 + sid
    ii = lax.broadcasted_iota(jnp.int32, (16,), 0)
    zi = jnp.zeros((16,), jnp.int32)
    fifteen = jnp.full((16,), 15, jnp.int32)
    kb = jnp.full((16,), _K, jnp.int32)
    dumpv = jnp.full((16,), _LDUMP, jnp.int32)

    @pl.when(sid < _B // 2)
    def _work():
        pltpu.sync_copy(labels_hbm.at[pl.ds(batch * _SA, _SA)], lrow_v)

        def _compact(g, cursorv):
            v = lrow_v[pl.ds(g * 16, 16)]
            s = v
            for d in (1, 2, 4, 8):
                tmp_v[...] = s
                gsh = plsc.load_gather(tmp_v, [jnp.maximum(ii - d, 0)])
                s = s + jnp.where(ii >= d, gsh, 0)
            tmp_v[...] = s
            totv = plsc.load_gather(tmp_v, [fifteen])
            mskb = v == 1
            rank = cursorv + s - 1
            idx = jnp.where(mskb & (rank < kb), rank, dumpv)
            plsc.store_scatter(list_v, [idx], g * 16 + ii)
            return cursorv + totv

        cntv = lax.fori_loop(0, _NVROW, _compact, zi)
        cnt_v[...] = cntv
        pltpu.sync_copy(list_v.at[pl.ds(0, _K)],
                        selpos_hbm.at[pl.ds(batch * _K, _K)])
        pltpu.sync_copy(cnt_v, seltot_hbm.at[pl.ds(batch * 16, 16)])


def _run_pick(labels_flat):
    mesh = plsc.VectorSubcoreMesh(core_axis_name="c", subcore_axis_name="s")
    kfn = functools.partial(
        pl.kernel,
        mesh=mesh,
        compiler_params=pltpu.CompilerParams(needs_layout_passes=False),
        out_type=[
            jax.ShapeDtypeStruct((_B * _K,), jnp.int32),
            jax.ShapeDtypeStruct((_B * 16,), jnp.int32),
        ],
        scratch_types=[
            pltpu.VMEM((_SA,), jnp.int32),
            pltpu.VMEM((_LSZ,), jnp.int32),
            pltpu.VMEM((16,), jnp.int32),
            pltpu.VMEM((16,), jnp.int32),
        ],
    )(_pick_kernel)
    return kfn(labels_flat)


def _sel_kernel(selpos_hbm, seltot_hbm, scores_hbm, logits_hbm,
                idx_hbm, cand_hbm, lsum_hbm,
                cnt_v,
                selpos_v, sellab_v, gidx_v, rows_v,
                brow_v, srow_v, arow_v, candrow_v, lsumrow_v,
                slowbuf_v,
                dma_sem):
    cid = lax.axis_index("c")
    sid = lax.axis_index("s")
    batch = cid * 2 + sid
    ii = lax.broadcasted_iota(jnp.int32, (16,), 0)
    zi = jnp.zeros((16,), jnp.int32)

    @pl.when(sid < _B // 2)
    def _work():
        pltpu.sync_copy(seltot_hbm.at[pl.ds(batch * 16, 16)], cnt_v)
        total_s = cnt_v[...][0]

        @pl.when(total_s >= _K)
        def _fast():
            pltpu.sync_copy(selpos_hbm.at[pl.ds(batch * _K, _K)], selpos_v)
            one = jnp.full((16,), 1, jnp.int32)
            for g in range(_K // 16):
                sellab_v[pl.ds(g * 16, 16)] = one

        @pl.when(total_s < _K)
        def _slow():
            pltpu.sync_copy(scores_hbm.at[pl.ds(batch * _SA, _SA)], slowbuf_v)

            def _ins4(p0, p1, p2, p3, j, val):
                hit = ii == jnp.bitwise_and(j, jnp.int32(15))
                g = j >> 4
                return (jnp.where(hit & (g == 0), val, p0),
                        jnp.where(hit & (g == 1), val, p1),
                        jnp.where(hit & (g == 2), val, p2),
                        jnp.where(hit & (g == 3), val, p3))

            def _one(j, carry):
                s0, s1, s2, s3, l0, l1, l2, l3 = carry

                def _scan(g, car):
                    av, ap = car
                    v = slowbuf_v[pl.ds(g * 16, 16)]
                    p = g * 16 + ii
                    take = v > av
                    return (jnp.where(take, v, av), jnp.where(take, p, ap))

                av, ap = lax.fori_loop(
                    0, _NVROW, _scan,
                    (jnp.full((16,), -2.0, jnp.float32),
                     jnp.zeros((16,), jnp.int32)))
                m = av[0]
                pos = ap[0]
                for lane in range(1, 16):
                    x = av[lane]
                    p = ap[lane]
                    better = (x > m) | ((x == m) & (p < pos))
                    m = jnp.where(better, x, m)
                    pos = jnp.where(better, p, pos)
                vg = pos >> 4
                lane = jnp.bitwise_and(pos, jnp.int32(15))
                vv = slowbuf_v[pl.ds(vg * 16, 16)]
                slowbuf_v[pl.ds(vg * 16, 16)] = jnp.where(
                    ii == lane, jnp.float32(-1.0), vv)
                lab = jnp.where(m == jnp.float32(2.0), jnp.int32(1), jnp.int32(0))
                s0, s1, s2, s3 = _ins4(s0, s1, s2, s3, j, pos)
                l0, l1, l2, l3 = _ins4(l0, l1, l2, l3, j, lab)
                return s0, s1, s2, s3, l0, l1, l2, l3

            s0, s1, s2, s3, l0, l1, l2, l3 = lax.fori_loop(
                0, _K, _one, (zi, zi, zi, zi, zi, zi, zi, zi))
            selpos_v[pl.ds(0, 16)] = s0
            selpos_v[pl.ds(16, 16)] = s1
            selpos_v[pl.ds(32, 16)] = s2
            selpos_v[pl.ds(48, 16)] = s3
            sellab_v[pl.ds(0, 16)] = l0
            sellab_v[pl.ds(16, 16)] = l1
            sellab_v[pl.ds(32, 16)] = l2
            sellab_v[pl.ds(48, 16)] = l3

        for g in range(_K // 16):
            pos = selpos_v[pl.ds(g * 16, 16)]
            s = pos >> 3
            a = jnp.bitwise_and(pos, jnp.int32(7))
            srow_v[pl.ds(g * 16, 16)] = s
            arow_v[pl.ds(g * 16, 16)] = a
            brow_v[pl.ds(g * 16, 16)] = jnp.full((16,), batch, jnp.int32)
            gidx_v[pl.ds(g * 16, 16)] = batch * _S + s

        pltpu.async_copy(logits_hbm.at[gidx_v], rows_v, dma_sem).wait()

        msum = jnp.zeros((16,), jnp.float32)
        for g in range(_K // 16):
            ridx = g * 16 + ii
            a = arow_v[pl.ds(g * 16, 16)]
            lab = sellab_v[pl.ds(g * 16, 16)]
            x0 = plsc.load_gather(rows_v, [ridx, a])
            x1 = plsc.load_gather(rows_v, [ridx, a + 8])
            xy = jnp.where(lab == 1, x1, x0)
            xo = jnp.where(lab == 1, x0, x1)
            msum = msum + jnp.maximum(jnp.float32(0.0),
                                      jnp.float32(5.0) - xy + xo) * jnp.float32(0.5)
            candrow_v[pl.ds(g * 16, 16)] = jnp.where(
                x1 > x0, jnp.int32(1), jnp.int32(0))

        lsumrow_v[...] = msum

        pltpu.sync_copy(brow_v, idx_hbm.at[pl.ds(batch * 3 * _K, _K)])
        pltpu.sync_copy(srow_v, idx_hbm.at[pl.ds(batch * 3 * _K + _K, _K)])
        pltpu.sync_copy(arow_v, idx_hbm.at[pl.ds(batch * 3 * _K + 2 * _K, _K)])
        pltpu.sync_copy(candrow_v, cand_hbm.at[pl.ds(batch * _K, _K)])
        pltpu.sync_copy(lsumrow_v, lsum_hbm.at[pl.ds(batch * 16, 16)])


def _run_stage2(selpos, seltot, scores_flat, logits2):
    mesh = plsc.VectorSubcoreMesh(core_axis_name="c", subcore_axis_name="s")
    kfn = functools.partial(
        pl.kernel,
        mesh=mesh,
        compiler_params=pltpu.CompilerParams(needs_layout_passes=False),
        out_type=[
            jax.ShapeDtypeStruct((_B * 3 * _K,), jnp.int32),
            jax.ShapeDtypeStruct((_B * _K,), jnp.int32),
            jax.ShapeDtypeStruct((_B * 16,), jnp.float32),
        ],
        scratch_types=[
            pltpu.VMEM((16,), jnp.int32),
            pltpu.VMEM((_K,), jnp.int32),
            pltpu.VMEM((_K,), jnp.int32),
            pltpu.VMEM((_K,), jnp.int32),
            pltpu.VMEM((_K, 128), jnp.float32),
            pltpu.VMEM((_K,), jnp.int32),
            pltpu.VMEM((_K,), jnp.int32),
            pltpu.VMEM((_K,), jnp.int32),
            pltpu.VMEM((_K,), jnp.int32),
            pltpu.VMEM((16,), jnp.float32),
            pltpu.VMEM((_SA,), jnp.float32),
            pltpu.SemaphoreType.DMA,
        ],
    )(_sel_kernel)
    return kfn(selpos, seltot, scores_flat, logits2)



def _loss_kernel(ls_ref, loss_ref):
    loss_ref[...] = jnp.full(
        (1, 1), jnp.sum(ls_ref[...]) * jnp.float32(1.0 / (_B * _K)))


def _run_stage3(lsum):
    return pl.pallas_call(
        _loss_kernel,
        out_shape=jax.ShapeDtypeStruct((1, 1), jnp.float32),
    )(lsum.reshape(_B, 16))



def kernel(batch_input, anchor_labels, W, b):
    w0 = W[0::2]
    w1 = W[1::2]
    wr = jnp.concatenate([w0, w1], axis=0).T
    br = jnp.concatenate([b[0::2], b[1::2]]).reshape(1, 2 * _A)

    labels_flat = anchor_labels.reshape(_B * _SA)
    selpos, seltot = _run_pick(labels_flat)

    predict, scores3, logits3 = _run_stage1(batch_input, anchor_labels, wr, br)

    scores_flat = scores3.reshape(_B * _SA)
    logits2 = logits3.reshape(_B * _S, 128)
    idx_flat, cand_flat, lsum = _run_stage2(selpos, seltot, scores_flat, logits2)

    loss = _run_stage3(lsum)[0, 0]
    total_idx = idx_flat.reshape(_B, 3, _K).transpose(0, 2, 1).reshape(_B * _K, 3)
    candidate_label = cand_flat
    return loss, predict, total_idx, candidate_label

# --- scband reference (transcript-rebuilt; emitter-appended) ---
"""Pipeline reference for scband-rpnlayer-85383949844583 (READ-ONLY COPY).

The authoritative reference and input builder live on the scoring server;
editing this copy changes nothing except your own understanding.
"""

import jax, jax.numpy as jnp
import numpy as np

B, S, D = 4, 4096, 768
A, C = 8, 2
K = 64


def setup_inputs(seed: int = 0):
    key = jax.random.key(seed)
    k1, k2, k3, k4 = jax.random.split(key, 4)
    batch_input = jax.random.normal(k1, (B, S, D), dtype=jnp.float32)
    anchor_labels = jax.random.randint(k2, (B, S, A), 0, 2, dtype=jnp.int32)
    W = jax.random.normal(k3, (A * C, D), dtype=jnp.float32) * 0.02
    b = jax.random.normal(k4, (A * C,), dtype=jnp.float32) * 0.01
    return {"batch_input": batch_input, "anchor_labels": anchor_labels, "W": W, "b": b}


def _forward(batch_input, W, b, anchor_labels):
    # linear projection: [B, S, A*C]
    logits = jnp.einsum('bsd,od->bso', batch_input, W) + b
    batchfy = logits.reshape(B, S, A, C)
    predict_label = jnp.argmax(batchfy, axis=3)
    # training branch: sigmoid mask, force positives' class-1 score to 2.0
    lm = jax.nn.sigmoid(logits).reshape(B, S, A, C)
    pos_mask = (anchor_labels == 1)
    lm = lm.at[..., 1].set(jnp.where(pos_mask, 2.0, lm[..., 1]))
    # get_topk_idx: topk over flattened S*A positions of class-1 scores
    scores1 = lm.reshape(B, S * A, C)[:, :, 1]
    _, pos = jax.lax.top_k(scores1, K)  # [B, K]
    seq_pos = (pos // A).reshape(-1)
    anc_pos = (pos % A).reshape(-1)
    batch_id = jnp.repeat(jnp.arange(B), K)
    total_idx = jnp.stack([batch_id, seq_pos, anc_pos], axis=1)  # [B*K, 3]
    sampled_label = anchor_labels[batch_id, seq_pos, anc_pos]
    sampled_prob = batchfy[batch_id, seq_pos, anc_pos]  # [B*K, C]
    # MultiMarginLoss(p=1, margin=5): mean over samples of sum_{j!=y} max(0, 5 - x[y] + x[j]) / C
    xy = jnp.take_along_axis(sampled_prob, sampled_label[:, None].astype(jnp.int32), axis=1)
    margins = jnp.maximum(0.0, 5.0 - xy + sampled_prob)
    per_sample = (jnp.sum(margins, axis=1) - 5.0) / C  # subtract the j==y term (== margin)
    loss = jnp.mean(per_sample)
    candidate_label = predict_label[batch_id, seq_pos, anc_pos]
    return loss, predict_label, total_idx, candidate_label


def reference(batch_input, anchor_labels, W, b):
    return _forward(batch_input, W, b, anchor_labels)

if __name__ == "__main__":
    import jax
    _d = setup_inputs()
    print(jax.jit(kernel)(*tuple(_d.values())))

</pallas_src>

<mosaic_0001>
#map = affine_map<(d0, d1) -> (0)>
#map1 = affine_map<(d0, d1) -> (0, 0)>
module attributes {stable_mosaic.version = 14 : i64} {
  func.func @_sel_kernel(%arg0: i32, %arg1: i32, %arg2: memref<256xi32, #tpu.memory_space<hbm>>, %arg3: memref<64xi32, #tpu.memory_space<hbm>>, %arg4: memref<131072xf32, #tpu.memory_space<hbm>>, %arg5: memref<16384x128xf32, #tpu.memory_space<hbm>>, %arg6: memref<768xi32, #tpu.memory_space<hbm>>, %arg7: memref<256xi32, #tpu.memory_space<hbm>>, %arg8: memref<64xf32, #tpu.memory_space<hbm>>, %arg9: memref<16xi32, #tpu.memory_space<vmem>>, %arg10: memref<64xi32, #tpu.memory_space<vmem>>, %arg11: memref<64xi32, #tpu.memory_space<vmem>>, %arg12: memref<64xi32, #tpu.memory_space<vmem>>, %arg13: memref<64x128xf32, #tpu.memory_space<vmem>>, %arg14: memref<64xi32, #tpu.memory_space<vmem>>, %arg15: memref<64xi32, #tpu.memory_space<vmem>>, %arg16: memref<64xi32, #tpu.memory_space<vmem>>, %arg17: memref<64xi32, #tpu.memory_space<vmem>>, %arg18: memref<16xf32, #tpu.memory_space<vmem>>, %arg19: memref<32768xf32, #tpu.memory_space<vmem>>, %arg20: memref<!tpu.dma_semaphore, #tpu.memory_space<semaphore_mem>>) attributes {dimension_semantics = [#tpu.dimension_semantics<core_parallel>, #tpu.dimension_semantics<subcore_parallel>], iteration_bounds = array<i64: 2, 16>, scalar_prefetch = 0 : i64, scratch_operands = 12 : i64, tpu.core_type = #tpu.core_type<sc_vector_subcore>, window_params = [{transform_indices = #map}, {transform_indices = #map}, {transform_indices = #map}, {transform_indices = #map1}, {transform_indices = #map}, {transform_indices = #map}, {transform_indices = #map}]} {
    %mul3A = arith.constant 2 : i32
    %mul3A_0 = arith.muli %arg0, %mul3A : i32
    %add3A = arith.addi %mul3A_0, %arg1 : i32
    %iota3A = tpu.iota {dimensions = array<i32: 0>} : vector<16xi32>
    %broadcast_in_dim3A = arith.constant 0 : i32
    %broadcast_in_dim3A_1 = vector.broadcast %broadcast_in_dim3A : i32 to vector<16xi32>
    %lt3A = arith.constant 2 : i32
    %lt3A_2 = arith.cmpi slt, %arg1, %lt3A : i32
    %convert_element_type3A = arith.extui %lt3A_2 : i1 to i32
    %cond3A = arith.constant 0 : i32
    %cond3A_3 = arith.cmpi ne, %convert_element_type3A, %cond3A : i32
    scf.if %cond3A_3 {
      %mul3A_4 = arith.constant 16 : i32
      %mul3A_5 = arith.muli %add3A, %mul3A_4 : i32
      "tpu.region"() ({
        %run_scoped3A = tpu.sem_alloc : memref<!tpu.dma_semaphore, #tpu.memory_space<semaphore_mem>>
        %dma_start3A_274 = tpu.memref_slice %arg3[%mul3A_5] : memref<64xi32, #tpu.memory_space<hbm>> -> memref<16xi32, #tpu.memory_space<hbm>>
        %dma_start3A_275 = tpu.memref_slice %arg3[%mul3A_5] : memref<64xi32, #tpu.memory_space<hbm>> -> memref<16xi32, #tpu.memory_space<hbm>>
        tpu.enqueue_dma source(%dma_start3A_275 : memref<16xi32, #tpu.memory_space<hbm>>) target(%arg9 : memref<16xi32, #tpu.memory_space<vmem>>) target_semaphore(%run_scoped3A : memref<!tpu.dma_semaphore, #tpu.memory_space<semaphore_mem>>)
        %dma_wait3A_276 = tpu.memref_slice %arg3[%mul3A_5] : memref<64xi32, #tpu.memory_space<hbm>> -> memref<16xi32, #tpu.memory_space<hbm>>
        %dma_wait3A_277 = tpu.memref_slice %arg3[%mul3A_5] : memref<64xi32, #tpu.memory_space<hbm>> -> memref<16xi32, #tpu.memory_space<hbm>>
        tpu.wait_dma2 semaphore(%run_scoped3A : memref<!tpu.dma_semaphore, #tpu.memory_space<semaphore_mem>>) src(%dma_wait3A_277 : memref<16xi32, #tpu.memory_space<hbm>>) dst(%arg9 : memref<16xi32, #tpu.memory_space<vmem>>)
        tpu.yield
      }) : () -> ()
      %get3A = arith.constant 0 : index
      %get3A_6 = tpu.vector_load %arg9[%get3A] {strides = array<i32>} : memref<16xi32, #tpu.memory_space<vmem>>, vector<16xi32>,
      %slice3A = vector.extract_strided_slice %get3A_6 {offsets = [0], sizes = [1], strides = [1]} : vector<16xi32> to vector<1xi32>
      %squeeze3A = vector.extract %slice3A[0] : i32 from vector<1xi32>
      %ge3A = arith.constant 64 : i32
      %ge3A_7 = arith.cmpi sge, %squeeze3A, %ge3A : i32
      %convert_element_type3A_8 = arith.extui %ge3A_7 : i1 to i32
      %cond3A_9 = arith.constant 0 : i32
      %cond3A_10 = arith.cmpi ne, %convert_element_type3A_8, %cond3A_9 : i32
      scf.if %cond3A_10 {
        %mul3A_274 = arith.constant 64 : i32
        %mul3A_275 = arith.muli %add3A, %mul3A_274 : i32
        "tpu.region"() ({
          %run_scoped3A = tpu.sem_alloc : memref<!tpu.dma_semaphore, #tpu.memory_space<semaphore_mem>>
          %dma_start3A_286 = tpu.memref_slice %arg2[%mul3A_275] : memref<256xi32, #tpu.memory_space<hbm>> -> memref<64xi32, #tpu.memory_space<hbm>>
          %dma_start3A_287 = tpu.memref_slice %arg2[%mul3A_275] : memref<256xi32, #tpu.memory_space<hbm>> -> memref<64xi32, #tpu.memory_space<hbm>>
          tpu.enqueue_dma source(%dma_start3A_287 : memref<64xi32, #tpu.memory_space<hbm>>) target(%arg10 : memref<64xi32, #tpu.memory_space<vmem>>) target_semaphore(%run_scoped3A : memref<!tpu.dma_semaphore, #tpu.memory_space<semaphore_mem>>)
          %dma_wait3A_288 = tpu.memref_slice %arg2[%mul3A_275] : memref<256xi32, #tpu.memory_space<hbm>> -> memref<64xi32, #tpu.memory_space<hbm>>
          %dma_wait3A_289 = tpu.memref_slice %arg2[%mul3A_275] : memref<256xi32, #tpu.memory_space<hbm>> -> memref<64xi32, #tpu.memory_space<hbm>>
          tpu.wait_dma2 semaphore(%run_scoped3A : memref<!tpu.dma_semaphore, #tpu.memory_space<semaphore_mem>>) src(%dma_wait3A_289 : memref<64xi32, #tpu.memory_space<hbm>>) dst(%arg10 : memref<64xi32, #tpu.memory_space<vmem>>)
          tpu.yield
        }) : () -> ()
        %broadcast_in_dim3A_276 = arith.constant 1 : i32
        %broadcast_in_dim3A_277 = vector.broadcast %broadcast_in_dim3A_276 : i32 to vector<16xi32>
        %swap3A_278 = arith.constant 0 : index
        %swap3A_279 = tpu.vector_load %arg11[%swap3A_278] {strides = array<i32>} : memref<64xi32, #tpu.memory_space<vmem>>, vector<16xi32>,
        tpu.vector_store %arg11[%swap3A_278], %broadcast_in_dim3A_277 {strides = array<i32>} : memref<64xi32, #tpu.memory_space<vmem>>, vector<16xi32>,
        %swap3A_280 = arith.constant 16 : index
        %swap3A_281 = tpu.vector_load %arg11[%swap3A_280] {strides = array<i32>} : memref<64xi32, #tpu.memory_space<vmem>>, vector<16xi32>,
        tpu.vector_store %arg11[%swap3A_280], %broadcast_in_dim3A_277 {strides = array<i32>} : memref<64xi32, #tpu.memory_space<vmem>>, vector<16xi32>,
        %swap3A_282 = arith.constant 32 : index
        %swap3A_283 = tpu.vector_load %arg11[%swap3A_282] {strides = array<i32>} : memref<64xi32, #tpu.memory_space<vmem>>, vector<16xi32>,
        tpu.vector_store %arg11[%swap3A_282], %broadcast_in_dim3A_277 {strides = array<i32>} : memref<64xi32, #tpu.memory_space<vmem>>, vector<16xi32>,
        %swap3A_284 = arith.constant 48 : index
        %swap3A_285 = tpu.vector_load %arg11[%swap3A_284] {strides = array<i32>} : memref<64xi32, #tpu.memory_space<vmem>>, vector<16xi32>,
        tpu.vector_store %arg11[%swap3A_284], %broadcast_in_dim3A_277 {strides = array<i32>} : memref<64xi32, #tpu.memory_space<vmem>>, vector<16xi32>,
      } else {
      }
      %lt3A_11 = arith.constant 64 : i32
      %lt3A_12 = arith.cmpi slt, %squeeze3A, %lt3A_11 : i32
      %convert_element_type3A_13 = arith.extui %lt3A_12 : i1 to i32
      %cond3A_14 = arith.constant 0 : i32
      %cond3A_15 = arith.cmpi ne, %convert_element_type3A_13, %cond3A_14 : i32
      scf.if %cond3A_15 {
        %mul3A_274 = arith.constant 32768 : i32
        %mul3A_275 = arith.muli %add3A, %mul3A_274 : i32
        "tpu.region"() ({
          %run_scoped3A = tpu.sem_alloc : memref<!tpu.dma_semaphore, #tpu.memory_space<semaphore_mem>>
          %dma_start3A_297 = tpu.memref_slice %arg4[%mul3A_275] : memref<131072xf32, #tpu.memory_space<hbm>> -> memref<32768xf32, #tpu.memory_space<hbm>>
          %dma_start3A_298 = tpu.memref_slice %arg4[%mul3A_275] : memref<131072xf32, #tpu.memory_space<hbm>> -> memref<32768xf32, #tpu.memory_space<hbm>>
          tpu.enqueue_dma source(%dma_start3A_298 : memref<32768xf32, #tpu.memory_space<hbm>>) target(%arg19 : memref<32768xf32, #tpu.memory_space<vmem>>) target_semaphore(%run_scoped3A : memref<!tpu.dma_semaphore, #tpu.memory_space<semaphore_mem>>)
          %dma_wait3A_299 = tpu.memref_slice %arg4[%mul3A_275] : memref<131072xf32, #tpu.memory_space<hbm>> -> memref<32768xf32, #tpu.memory_space<hbm>>
          %dma_wait3A_300 = tpu.memref_slice %arg4[%mul3A_275] : memref<131072xf32, #tpu.memory_space<hbm>> -> memref<32768xf32, #tpu.memory_space<hbm>>
          tpu.wait_dma2 semaphore(%run_scoped3A : memref<!tpu.dma_semaphore, #tpu.memory_space<semaphore_mem>>) src(%dma_wait3A_300 : memref<32768xf32, #tpu.memory_space<hbm>>) dst(%arg19 : memref<32768xf32, #tpu.memory_space<vmem>>)
          tpu.yield
        }) : () -> ()
        %scan3A = arith.constant 0 : i32
        %scan3A_276 = arith.constant 64 : i32
        %scan3A_277 = arith.addi %scan3A, %scan3A_276 : i32
        %scan3A_278 = arith.constant 1 : i32
        %scan3A_279:8 = scf.for %scan3A_297 = %scan3A to %scan3A_277 step %scan3A_278 iter_args(%scan3A_298 = %broadcast_in_dim3A_1, %scan3A_299 = %broadcast_in_dim3A_1, %scan3A_300 = %broadcast_in_dim3A_1, %scan3A_301 = %broadcast_in_dim3A_1, %scan3A_302 = %broadcast_in_dim3A_1, %scan3A_303 = %broadcast_in_dim3A_1, %scan3A_304 = %broadcast_in_dim3A_1, %scan3A_305 = %broadcast_in_dim3A_1) -> (vector<16xi32>, vector<16xi32>, vector<16xi32>, vector<16xi32>, vector<16xi32>, vector<16xi32>, vector<16xi32>, vector<16xi32>)  : i32 {
          %broadcast_in_dim3A_306 = arith.constant -2.000000e+00 : f32
          %broadcast_in_dim3A_307 = vector.broadcast %broadcast_in_dim3A_306 : f32 to vector<16xf32>
          %broadcast_in_dim3A_308 = arith.constant 0 : i32
          %broadcast_in_dim3A_309 = vector.broadcast %broadcast_in_dim3A_308 : i32 to vector<16xi32>
          %scan3A_310 = arith.constant 0 : i32
          %scan3A_311 = arith.constant 2048 : i32
          %scan3A_312 = arith.addi %scan3A_310, %scan3A_311 : i32
          %scan3A_313 = arith.constant 1 : i32
          %scan3A_314:2 = scf.for %scan3A_566 = %scan3A_310 to %scan3A_312 step %scan3A_313 iter_args(%scan3A_567 = %broadcast_in_dim3A_307, %scan3A_568 = %broadcast_in_dim3A_309) -> (vector<16xf32>, vector<16xi32>)  : i32 {
            %mul3A_569 = arith.constant 16 : i32
            %mul3A_570 = arith.muli %scan3A_566, %mul3A_569 : i32
            %get3A_571 = arith.index_cast %mul3A_570 : i32 to index
            %get3A_572 = tpu.vector_load %arg19[%get3A_571] {strides = array<i32>} : memref<32768xf32, #tpu.memory_space<vmem>>, vector<16xf32>,
            %mul3A_573 = arith.constant 16 : i32
            %mul3A_574 = arith.muli %scan3A_566, %mul3A_573 : i32
            %add3A_575 = vector.broadcast %mul3A_574 : i32 to vector<16xi32>
            %add3A_576 = arith.addi %add3A_575, %iota3A : vector<16xi32>
            %gt3A_577 = arith.cmpf ogt, %get3A_572, %scan3A_567 : vector<16xf32>
            %select_n3A_578 = arith.select %gt3A_577, %get3A_572, %scan3A_567 : vector<16xi1>, vector<16xf32>
            %select_n3A_579 = arith.select %gt3A_577, %add3A_576, %scan3A_568 : vector<16xi1>, vector<16xi32>
            scf.yield %select_n3A_578, %select_n3A_579 : vector<16xf32>, vector<16xi32>
          }
          %scan3A_315 = arith.constant 2048 : i32
          %slice3A_316 = vector.extract_strided_slice %scan3A_314#0 {offsets = [0], sizes = [1], strides = [1]} : vector<16xf32> to vector<1xf32>
          %squeeze3A_317 = vector.extract %slice3A_316[0] : f32 from vector<1xf32>
          %slice3A_318 = vector.extract_strided_slice %scan3A_314#1 {offsets = [0], sizes = [1], strides = [1]} : vector<16xi32> to vector<1xi32>
          %squeeze3A_319 = vector.extract %slice3A_318[0] : i32 from vector<1xi32>
          %slice3A_320 = vector.extract_strided_slice %scan3A_314#0 {offsets = [1], sizes = [1], strides = [1]} : vector<16xf32> to vector<1xf32>
          %squeeze3A_321 = vector.extract %slice3A_320[0] : f32 from vector<1xf32>
          %slice3A_322 = vector.extract_strided_slice %scan3A_314#1 {offsets = [1], sizes = [1], strides = [1]} : vector<16xi32> to vector<1xi32>
          %squeeze3A_323 = vector.extract %slice3A_322[0] : i32 from vector<1xi32>
          %gt3A_324 = arith.cmpf ogt, %squeeze3A_321, %squeeze3A_317 : f32
          %eq3A_325 = arith.cmpf oeq, %squeeze3A_321, %squeeze3A_317 : f32
          %lt3A_326 = arith.cmpi slt, %squeeze3A_323, %squeeze3A_319 : i32
          %and3A_327 = arith.andi %eq3A_325, %lt3A_326 : i1
          %or3A = arith.ori %gt3A_324, %and3A_327 : i1
          %select_n3A_328 = arith.select %or3A, %squeeze3A_321, %squeeze3A_317 : f32
          %select_n3A_329 = arith.select %or3A, %squeeze3A_323, %squeeze3A_319 : i32
          %slice3A_330 = vector.extract_strided_slice %scan3A_314#0 {offsets = [2], sizes = [1], strides = [1]} : vector<16xf32> to vector<1xf32>
          %squeeze3A_331 = vector.extract %slice3A_330[0] : f32 from vector<1xf32>
          %slice3A_332 = vector.extract_strided_slice %scan3A_314#1 {offsets = [2], sizes = [1], strides = [1]} : vector<16xi32> to vector<1xi32>
          %squeeze3A_333 = vector.extract %slice3A_332[0] : i32 from vector<1xi32>
          %gt3A_334 = arith.cmpf ogt, %squeeze3A_331, %select_n3A_328 : f32
          %eq3A_335 = arith.cmpf oeq, %squeeze3A_331, %select_n3A_328 : f32
          %lt3A_336 = arith.cmpi slt, %squeeze3A_333, %select_n3A_329 : i32
          %and3A_337 = arith.andi %eq3A_335, %lt3A_336 : i1
          %or3A_338 = arith.ori %gt3A_334, %and3A_337 : i1
          %select_n3A_339 = arith.select %or3A_338, %squeeze3A_331, %select_n3A_328 : f32
          %select_n3A_340 = arith.select %or3A_338, %squeeze3A_333, %select_n3A_329 : i32
          %slice3A_341 = vector.extract_strided_slice %scan3A_314#0 {offsets = [3], sizes = [1], strides = [1]} : vector<16xf32> to vector<1xf32>
          %squeeze3A_342 = vector.extract %slice3A_341[0] : f32 from vector<1xf32>
          %slice3A_343 = vector.extract_strided_slice %scan3A_314#1 {offsets = [3], sizes = [1], strides = [1]} : vector<16xi32> to vector<1xi32>
          %squeeze3A_344 = vector.extract %slice3A_343[0] : i32 from vector<1xi32>
          %gt3A_345 = arith.cmpf ogt, %squeeze3A_342, %select_n3A_339 : f32
          %eq3A_346 = arith.cmpf oeq, %squeeze3A_342, %select_n3A_339 : f32
          %lt3A_347 = arith.cmpi slt, %squeeze3A_344, %select_n3A_340 : i32
          %and3A_348 = arith.andi %eq3A_346, %lt3A_347 : i1
          %or3A_349 = arith.ori %gt3A_345, %and3A_348 : i1
          %select_n3A_350 = arith.select %or3A_349, %squeeze3A_342, %select_n3A_339 : f32
          %select_n3A_351 = arith.select %or3A_349, %squeeze3A_344, %select_n3A_340 : i32
          %slice3A_352 = vector.extract_strided_slice %scan3A_314#0 {offsets = [4], sizes = [1], strides = [1]} : vector<16xf32> to vector<1xf32>
          %squeeze3A_353 = vector.extract %slice3A_352[0] : f32 from vector<1xf32>
          %slice3A_354 = vector.extract_strided_slice %scan3A_314#1 {offsets = [4], sizes = [1], strides = [1]} : vector<16xi32> to vector<1xi32>
          %squeeze3A_355 = vector.extract %slice3A_354[0] : i32 from vector<1xi32>
          %gt3A_356 = arith.cmpf ogt, %squeeze3A_353, %select_n3A_350 : f32
          %eq3A_357 = arith.cmpf oeq, %squeeze3A_353, %select_n3A_350 : f32
          %lt3A_358 = arith.cmpi slt, %squeeze3A_355, %select_n3A_351 : i32
          %and3A_359 = arith.andi %eq3A_357, %lt3A_358 : i1
          %or3A_360 = arith.ori %gt3A_356, %and3A_359 : i1
          %select_n3A_361 = arith.select %or3A_360, %squeeze3A_353, %select_n3A_350 : f32
          %select_n3A_362 = arith.select %or3A_360, %squeeze3A_355, %select_n3A_351 : i32
          %slice3A_363 = vector.extract_strided_slice %scan3A_314#0 {offsets = [5], sizes = [1], strides = [1]} : vector<16xf32> to vector<1xf32>
          %squeeze3A_364 = vector.extract %slice3A_363[0] : f32 from vector<1xf32>
          %slice3A_365 = vector.extract_strided_slice %scan3A_314#1 {offsets = [5], sizes = [1], strides = [1]} : vector<16xi32> to vector<1xi32>
          %squeeze3A_366 = vector.extract %slice3A_365[0] : i32 from vector<1xi32>
          %gt3A_367 = arith.cmpf ogt, %squeeze3A_364, %select_n3A_361 : f32
          %eq3A_368 = arith.cmpf oeq, %squeeze3A_364, %select_n3A_361 : f32
          %lt3A_369 = arith.cmpi slt, %squeeze3A_366, %select_n3A_362 : i32
          %and3A_370 = arith.andi %eq3A_368, %lt3A_369 : i1
          %or3A_371 = arith.ori %gt3A_367, %and3A_370 : i1
          %select_n3A_372 = arith.select %or3A_371, %squeeze3A_364, %select_n3A_361 : f32
          %select_n3A_373 = arith.select %or3A_371, %squeeze3A_366, %select_n3A_362 : i32
          %slice3A_374 = vector.extract_strided_slice %scan3A_314#0 {offsets = [6], sizes = [1], strides = [1]} : vector<16xf32> to vector<1xf32>
          %squeeze3A_375 = vector.extract %slice3A_374[0] : f32 from vector<1xf32>
          %slice3A_376 = vector.extract_strided_slice %scan3A_314#1 {offsets = [6], sizes = [1], strides = [1]} : vector<16xi32> to vector<1xi32>
          %squeeze3A_377 = vector.extract %slice3A_376[0] : i32 from vector<1xi32>
          %gt3A_378 = arith.cmpf ogt, %squeeze3A_375, %select_n3A_372 : f32
          %eq3A_379 = arith.cmpf oeq, %squeeze3A_375, %select_n3A_372 : f32
          %lt3A_380 = arith.cmpi slt, %squeeze3A_377, %select_n3A_373 : i32
          %and3A_381 = arith.andi %eq3A_379, %lt3A_380 : i1
          %or3A_382 = arith.ori %gt3A_378, %and3A_381 : i1
          %select_n3A_383 = arith.select %or3A_382, %squeeze3A_375, %select_n3A_372 : f32
          %select_n3A_384 = arith.select %or3A_382, %squeeze3A_377, %select_n3A_373 : i32
          %slice3A_385 = vector.extract_strided_slice %scan3A_314#0 {offsets = [7], sizes = [1], strides = [1]} : vector<16xf32> to vector<1xf32>
          %squeeze3A_386 = vector.extract %slice3A_385[0] : f32 from vector<1xf32>
          %slice3A_387 = vector.extract_strided_slice %scan3A_314#1 {offsets = [7], sizes = [1], strides = [1]} : vector<16xi32> to vector<1xi32>
          %squeeze3A_388 = vector.extract %slice3A_387[0] : i32 from vector<1xi32>
          %gt3A_389 = arith.cmpf ogt, %squeeze3A_386, %select_n3A_383 : f32
          %eq3A_390 = arith.cmpf oeq, %squeeze3A_386, %select_n3A_383 : f32
          %lt3A_391 = arith.cmpi slt, %squeeze3A_388, %select_n3A_384 : i32
          %and3A_392 = arith.andi %eq3A_390, %lt3A_391 : i1
          %or3A_393 = arith.ori %gt3A_389, %and3A_392 : i1
          %select_n3A_394 = arith.select %or3A_393, %squeeze3A_386, %select_n3A_383 : f32
          %select_n3A_395 = arith.select %or3A_393, %squeeze3A_388, %select_n3A_384 : i32
          %slice3A_396 = vector.extract_strided_slice %scan3A_314#0 {offsets = [8], sizes = [1], strides = [1]} : vector<16xf32> to vector<1xf32>
          %squeeze3A_397 = vector.extract %slice3A_396[0] : f32 from vector<1xf32>
          %slice3A_398 = vector.extract_strided_slice %scan3A_314#1 {offsets = [8], sizes = [1], strides = [1]} : vector<16xi32> to vector<1xi32>
          %squeeze3A_399 = vector.extract %slice3A_398[0] : i32 from vector<1xi32>
          %gt3A_400 = arith.cmpf ogt, %squeeze3A_397, %select_n3A_394 : f32
          %eq3A_401 = arith.cmpf oeq, %squeeze3A_397, %select_n3A_394 : f32
          %lt3A_402 = arith.cmpi slt, %squeeze3A_399, %select_n3A_395 : i32
          %and3A_403 = arith.andi %eq3A_401, %lt3A_402 : i1
          %or3A_404 = arith.ori %gt3A_400, %and3A_403 : i1
          %select_n3A_405 = arith.select %or3A_404, %squeeze3A_397, %select_n3A_394 : f32
          %select_n3A_406 = arith.select %or3A_404, %squeeze3A_399, %select_n3A_395 : i32
          %slice3A_407 = vector.extract_strided_slice %scan3A_314#0 {offsets = [9], sizes = [1], strides = [1]} : vector<16xf32> to vector<1xf32>
          %squeeze3A_408 = vector.extract %slice3A_407[0] : f32 from vector<1xf32>
          %slice3A_409 = vector.extract_strided_slice %scan3A_314#1 {offsets = [9], sizes = [1], strides = [1]} : vector<16xi32> to vector<1xi32>
          %squeeze3A_410 = vector.extract %slice3A_409[0] : i32 from vector<1xi32>
          %gt3A_411 = arith.cmpf ogt, %squeeze3A_408, %select_n3A_405 : f32
          %eq3A_412 = arith.cmpf oeq, %squeeze3A_408, %select_n3A_405 : f32
          %lt3A_413 = arith.cmpi slt, %squeeze3A_410, %select_n3A_406 : i32
          %and3A_414 = arith.andi %eq3A_412, %lt3A_413 : i1
          %or3A_415 = arith.ori %gt3A_411, %and3A_414 : i1
          %select_n3A_416 = arith.select %or3A_415, %squeeze3A_408, %select_n3A_405 : f32
          %select_n3A_417 = arith.select %or3A_415, %squeeze3A_410, %select_n3A_406 : i32
          %slice3A_418 = vector.extract_strided_slice %scan3A_314#0 {offsets = [10], sizes = [1], strides = [1]} : vector<16xf32> to vector<1xf32>
          %squeeze3A_419 = vector.extract %slice3A_418[0] : f32 from vector<1xf32>
          %slice3A_420 = vector.extract_strided_slice %scan3A_314#1 {offsets = [10], sizes = [1], strides = [1]} : vector<16xi32> to vector<1xi32>
          %squeeze3A_421 = vector.extract %slice3A_420[0] : i32 from vector<1xi32>
          %gt3A_422 = arith.cmpf ogt, %squeeze3A_419, %select_n3A_416 : f32
          %eq3A_423 = arith.cmpf oeq, %squeeze3A_419, %select_n3A_416 : f32
          %lt3A_424 = arith.cmpi slt, %squeeze3A_421, %select_n3A_417 : i32
          %and3A_425 = arith.andi %eq3A_423, %lt3A_424 : i1
          %or3A_426 = arith.ori %gt3A_422, %and3A_425 : i1
          %select_n3A_427 = arith.select %or3A_426, %squeeze3A_419, %select_n3A_416 : f32
          %select_n3A_428 = arith.select %or3A_426, %squeeze3A_421, %select_n3A_417 : i32
          %slice3A_429 = vector.extract_strided_slice %scan3A_314#0 {offsets = [11], sizes = [1], strides = [1]} : vector<16xf32> to vector<1xf32>
          %squeeze3A_430 = vector.extract %slice3A_429[0] : f32 from vector<1xf32>
          %slice3A_431 = vector.extract_strided_slice %scan3A_314#1 {offsets = [11], sizes = [1], strides = [1]} : vector<16xi32> to vector<1xi32>
          %squeeze3A_432 = vector.extract %slice3A_431[0] : i32 from vector<1xi32>
          %gt3A_433 = arith.cmpf ogt, %squeeze3A_430, %select_n3A_427 : f32
          %eq3A_434 = arith.cmpf oeq, %squeeze3A_430, %select_n3A_427 : f32
          %lt3A_435 = arith.cmpi slt, %squeeze3A_432, %select_n3A_428 : i32
          %and3A_436 = arith.andi %eq3A_434, %lt3A_435 : i1
          %or3A_437 = arith.ori %gt3A_433, %and3A_436 : i1
          %select_n3A_438 = arith.select %or3A_437, %squeeze3A_430, %select_n3A_427 : f32
          %select_n3A_439 = arith.select %or3A_437, %squeeze3A_432, %select_n3A_428 : i32
          %slice3A_440 = vector.extract_strided_slice %scan3A_314#0 {offsets = [12], sizes = [1], strides = [1]} : vector<16xf32> to vector<1xf32>
          %squeeze3A_441 = vector.extract %slice3A_440[0] : f32 from vector<1xf32>
          %slice3A_442 = vector.extract_strided_slice %scan3A_314#1 {offsets = [12], sizes = [1], strides = [1]} : vector<16xi32> to vector<1xi32>
          %squeeze3A_443 = vector.extract %slice3A_442[0] : i32 from vector<1xi32>
          %gt3A_444 = arith.cmpf ogt, %squeeze3A_441, %select_n3A_438 : f32
          %eq3A_445 = arith.cmpf oeq, %squeeze3A_441, %select_n3A_438 : f32
          %lt3A_446 = arith.cmpi slt, %squeeze3A_443, %select_n3A_439 : i32
          %and3A_447 = arith.andi %eq3A_445, %lt3A_446 : i1
          %or3A_448 = arith.ori %gt3A_444, %and3A_447 : i1
          %select_n3A_449 = arith.select %or3A_448, %squeeze3A_441, %select_n3A_438 : f32
          %select_n3A_450 = arith.select %or3A_448, %squeeze3A_443, %select_n3A_439 : i32
          %slice3A_451 = vector.extract_strided_slice %scan3A_314#0 {offsets = [13], sizes = [1], strides = [1]} : vector<16xf32> to vector<1xf32>
          %squeeze3A_452 = vector.extract %slice3A_451[0] : f32 from vector<1xf32>
          %slice3A_453 = vector.extract_strided_slice %scan3A_314#1 {offsets = [13], sizes = [1], strides = [1]} : vector<16xi32> to vector<1xi32>
          %squeeze3A_454 = vector.extract %slice3A_453[0] : i32 from vector<1xi32>
          %gt3A_455 = arith.cmpf ogt, %squeeze3A_452, %select_n3A_449 : f32
          %eq3A_456 = arith.cmpf oeq, %squeeze3A_452, %select_n3A_449 : f32
          %lt3A_457 = arith.cmpi slt, %squeeze3A_454, %select_n3A_450 : i32
          %and3A_458 = arith.andi %eq3A_456, %lt3A_457 : i1
          %or3A_459 = arith.ori %gt3A_455, %and3A_458 : i1
          %select_n3A_460 = arith.select %or3A_459, %squeeze3A_452, %select_n3A_449 : f32
          %select_n3A_461 = arith.select %or3A_459, %squeeze3A_454, %select_n3A_450 : i32
          %slice3A_462 = vector.extract_strided_slice %scan3A_314#0 {offsets = [14], sizes = [1], strides = [1]} : vector<16xf32> to vector<1xf32>
          %squeeze3A_463 = vector.extract %slice3A_462[0] : f32 from vector<1xf32>
          %slice3A_464 = vector.extract_strided_slice %scan3A_314#1 {offsets = [14], sizes = [1], strides = [1]} : vector<16xi32> to vector<1xi32>
          %squeeze3A_465 = vector.extract %slice3A_464[0] : i32 from vector<1xi32>
          %gt3A_466 = arith.cmpf ogt, %squeeze3A_463, %select_n3A_460 : f32
          %eq3A_467 = arith.cmpf oeq, %squeeze3A_463, %select_n3A_460 : f32
          %lt3A_468 = arith.cmpi slt, %squeeze3A_465, %select_n3A_461 : i32
          %and3A_469 = arith.andi %eq3A_467, %lt3A_468 : i1
          %or3A_470 = arith.ori %gt3A_466, %and3A_469 : i1
          %select_n3A_471 = arith.select %or3A_470, %squeeze3A_463, %select_n3A_460 : f32
          %select_n3A_472 = arith.select %or3A_470, %squeeze3A_465, %select_n3A_461 : i32
          %slice3A_473 = vector.extract_strided_slice %scan3A_314#0 {offsets = [15], sizes = [1], strides = [1]} : vector<16xf32> to vector<1xf32>
          %squeeze3A_474 = vector.extract %slice3A_473[0] : f32 from vector<1xf32>
          %slice3A_475 = vector.extract_strided_slice %scan3A_314#1 {offsets = [15], sizes = [1], strides = [1]} : vector<16xi32> to vector<1xi32>
          %squeeze3A_476 = vector.extract %slice3A_475[0] : i32 from vector<1xi32>
          %gt3A_477 = arith.cmpf ogt, %squeeze3A_474, %select_n3A_471 : f32
          %eq3A_478 = arith.cmpf oeq, %squeeze3A_474, %select_n3A_471 : f32
          %lt3A_479 = arith.cmpi slt, %squeeze3A_476, %select_n3A_472 : i32
          %and3A_480 = arith.andi %eq3A_478, %lt3A_479 : i1
          %or3A_481 = arith.ori %gt3A_477, %and3A_480 : i1
          %select_n3A_482 = arith.select %or3A_481, %squeeze3A_474, %select_n3A_471 : f32
          %select_n3A_483 = arith.select %or3A_481, %squeeze3A_476, %select_n3A_472 : i32
          %shift_right_arithmetic3A_484 = arith.constant 4 : i32
          %shift_right_arithmetic3A_485 = arith.shrsi %select_n3A_483, %shift_right_arithmetic3A_484 : i32
          %and3A_486 = arith.constant 15 : i32
          %and3A_487 = arith.andi %select_n3A_483, %and3A_486 : i32
          %mul3A_488 = arith.constant 16 : i32
          %mul3A_489 = arith.muli %shift_right_arithmetic3A_485, %mul3A_488 : i32
          %get3A_490 = arith.index_cast %mul3A_489 : i32 to index
          %get3A_491 = tpu.vector_load %arg19[%get3A_490] {strides = array<i32>} : memref<32768xf32, #tpu.memory_space<vmem>>, vector<16xf32>,
          %eq3A_492 = vector.broadcast %and3A_487 : i32 to vector<16xi32>
          %eq3A_493 = arith.cmpi eq, %iota3A, %eq3A_492 : vector<16xi32>
          %jit3A_494 = arith.constant -1.000000e+00 : f32
          %broadcast_in_dim3A_495 = vector.broadcast %jit3A_494 : f32 to vector<16xf32>
          %select_n3A_496 = arith.select %eq3A_493, %broadcast_in_dim3A_495, %get3A_491 : vector<16xi1>, vector<16xf32>
          %mul3A_497 = arith.constant 16 : i32
          %mul3A_498 = arith.muli %shift_right_arithmetic3A_485, %mul3A_497 : i32
          %swap3A_499 = arith.index_cast %mul3A_498 : i32 to index
          %swap3A_500 = tpu.vector_load %arg19[%swap3A_499] {strides = array<i32>} : memref<32768xf32, #tpu.memory_space<vmem>>, vector<16xf32>,
          tpu.vector_store %arg19[%swap3A_499], %select_n3A_496 {strides = array<i32>} : memref<32768xf32, #tpu.memory_space<vmem>>, vector<16xf32>,
          %eq3A_501 = arith.constant 2.000000e+00 : f32
          %eq3A_502 = arith.cmpf oeq, %select_n3A_482, %eq3A_501 : f32
          %jit3A_503 = arith.constant 1 : i32
          %jit3A_504 = arith.constant 0 : i32
          %select_n3A_505 = arith.select %eq3A_502, %jit3A_503, %jit3A_504 : i32
          %and3A_506 = arith.constant 15 : i32
          %and3A_507 = arith.andi %scan3A_297, %and3A_506 : i32
          %eq3A_508 = vector.broadcast %and3A_507 : i32 to vector<16xi32>
          %eq3A_509 = arith.cmpi eq, %iota3A, %eq3A_508 : vector<16xi32>
          %shift_right_arithmetic3A_510 = arith.constant 4 : i32
          %shift_right_arithmetic3A_511 = arith.shrsi %scan3A_297, %shift_right_arithmetic3A_510 : i32
          %eq3A_512 = arith.constant 0 : i32
          %eq3A_513 = arith.cmpi eq, %shift_right_arithmetic3A_511, %eq3A_512 : i32
          %and3A_514 = vector.broadcast %eq3A_513 : i1 to vector<16xi1>
          %and3A_515 = arith.andi %eq3A_509, %and3A_514 : vector<16xi1>
          %broadcast_in_dim3A_516 = vector.broadcast %select_n3A_483 : i32 to vector<16xi32>
          %select_n3A_517 = arith.select %and3A_515, %broadcast_in_dim3A_516, %scan3A_298 : vector<16xi1>, vector<16xi32>
          %eq3A_518 = arith.constant 1 : i32
          %eq3A_519 = arith.cmpi eq, %shift_right_arithmetic3A_511, %eq3A_518 : i32
          %and3A_520 = vector.broadcast %eq3A_519 : i1 to vector<16xi1>
          %and3A_521 = arith.andi %eq3A_509, %and3A_520 : vector<16xi1>
          %broadcast_in_dim3A_522 = vector.broadcast %select_n3A_483 : i32 to vector<16xi32>
          %select_n3A_523 = arith.select %and3A_521, %broadcast_in_dim3A_522, %scan3A_299 : vector<16xi1>, vector<16xi32>
          %eq3A_524 = arith.constant 2 : i32
          %eq3A_525 = arith.cmpi eq, %shift_right_arithmetic3A_511, %eq3A_524 : i32
          %and3A_526 = vector.broadcast %eq3A_525 : i1 to vector<16xi1>
          %and3A_527 = arith.andi %eq3A_509, %and3A_526 : vector<16xi1>
          %broadcast_in_dim3A_528 = vector.broadcast %select_n3A_483 : i32 to vector<16xi32>
          %select_n3A_529 = arith.select %and3A_527, %broadcast_in_dim3A_528, %scan3A_300 : vector<16xi1>, vector<16xi32>
          %eq3A_530 = arith.constant 3 : i32
          %eq3A_531 = arith.cmpi eq, %shift_right_arithmetic3A_511, %eq3A_530 : i32
          %and3A_532 = vector.broadcast %eq3A_531 : i1 to vector<16xi1>
          %and3A_533 = arith.andi %eq3A_509, %and3A_532 : vector<16xi1>
          %broadcast_in_dim3A_534 = vector.broadcast %select_n3A_483 : i32 to vector<16xi32>
          %select_n3A_535 = arith.select %and3A_533, %broadcast_in_dim3A_534, %scan3A_301 : vector<16xi1>, vector<16xi32>
          %and3A_536 = arith.constant 15 : i32
          %and3A_537 = arith.andi %scan3A_297, %and3A_536 : i32
          %eq3A_538 = vector.broadcast %and3A_537 : i32 to vector<16xi32>
          %eq3A_539 = arith.cmpi eq, %iota3A, %eq3A_538 : vector<16xi32>
          %shift_right_arithmetic3A_540 = arith.constant 4 : i32
          %shift_right_arithmetic3A_541 = arith.shrsi %scan3A_297, %shift_right_arithmetic3A_540 : i32
          %eq3A_542 = arith.constant 0 : i32
          %eq3A_543 = arith.cmpi eq, %shift_right_arithmetic3A_541, %eq3A_542 : i32
          %and3A_544 = vector.broadcast %eq3A_543 : i1 to vector<16xi1>
          %and3A_545 = arith.andi %eq3A_539, %and3A_544 : vector<16xi1>
          %broadcast_in_dim3A_546 = vector.broadcast %select_n3A_505 : i32 to vector<16xi32>
          %select_n3A_547 = arith.select %and3A_545, %broadcast_in_dim3A_546, %scan3A_302 : vector<16xi1>, vector<16xi32>
          %eq3A_548 = arith.constant 1 : i32
          %eq3A_549 = arith.cmpi eq, %shift_right_arithmetic3A_541, %eq3A_548 : i32
          %and3A_550 = vector.broadcast %eq3A_549 : i1 to vector<16xi1>
          %and3A_551 = arith.andi %eq3A_539, %and3A_550 : vector<16xi1>
          %broadcast_in_dim3A_552 = vector.broadcast %select_n3A_505 : i32 to vector<16xi32>
          %select_n3A_553 = arith.select %and3A_551, %broadcast_in_dim3A_552, %scan3A_303 : vector<16xi1>, vector<16xi32>
          %eq3A_554 = arith.constant 2 : i32
          %eq3A_555 = arith.cmpi eq, %shift_right_arithmetic3A_541, %eq3A_554 : i32
          %and3A_556 = vector.broadcast %eq3A_555 : i1 to vector<16xi1>
          %and3A_557 = arith.andi %eq3A_539, %and3A_556 : vector<16xi1>
          %broadcast_in_dim3A_558 = vector.broadcast %select_n3A_505 : i32 to vector<16xi32>
          %select_n3A_559 = arith.select %and3A_557, %broadcast_in_dim3A_558, %scan3A_304 : vector<16xi1>, vector<16xi32>
          %eq3A_560 = arith.constant 3 : i32
          %eq3A_561 = arith.cmpi eq, %shift_right_arithmetic3A_541, %eq3A_560 : i32
          %and3A_562 = vector.broadcast %eq3A_561 : i1 to vector<16xi1>
          %and3A_563 = arith.andi %eq3A_539, %and3A_562 : vector<16xi1>
          %broadcast_in_dim3A_564 = vector.broadcast %select_n3A_505 : i32 to vector<16xi32>
          %select_n3A_565 = arith.select %and3A_563, %broadcast_in_dim3A_564, %scan3A_305 : vector<16xi1>, vector<16xi32>
          scf.yield %select_n3A_517, %select_n3A_523, %select_n3A_529, %select_n3A_535, %select_n3A_547, %select_n3A_553, %select_n3A_559, %select_n3A_565 : vector<16xi32>, vector<16xi32>, vector<16xi32>, vector<16xi32>, vector<16xi32>, vector<16xi32>, vector<16xi32>, vector<16xi32>
        }
        %scan3A_280 = arith.constant 64 : i32
        %swap3A_281 = arith.constant 0 : index
        %swap3A_282 = tpu.vector_load %arg10[%swap3A_281] {strides = array<i32>} : memref<64xi32, #tpu.memory_space<vmem>>, vector<16xi32>,
        tpu.vector_store %arg10[%swap3A_281], %scan3A_279#0 {strides = array<i32>} : memref<64xi32, #tpu.memory_space<vmem>>, vector<16xi32>,
        %swap3A_283 = arith.constant 16 : index
        %swap3A_284 = tpu.vector_load %arg10[%swap3A_283] {strides = array<i32>} : memref<64xi32, #tpu.memory_space<vmem>>, vector<16xi32>,
        tpu.vector_store %arg10[%swap3A_283], %scan3A_279#1 {strides = array<i32>} : memref<64xi32, #tpu.memory_space<vmem>>, vector<16xi32>,
        %swap3A_285 = arith.constant 32 : index
        %swap3A_286 = tpu.vector_load %arg10[%swap3A_285] {strides = array<i32>} : memref<64xi32, #tpu.memory_space<vmem>>, vector<16xi32>,
        tpu.vector_store %arg10[%swap3A_285], %scan3A_279#2 {strides = array<i32>} : memref<64xi32, #tpu.memory_space<vmem>>, vector<16xi32>,
        %swap3A_287 = arith.constant 48 : index
        %swap3A_288 = tpu.vector_load %arg10[%swap3A_287] {strides = array<i32>} : memref<64xi32, #tpu.memory_space<vmem>>, vector<16xi32>,
        tpu.vector_store %arg10[%swap3A_287], %scan3A_279#3 {strides = array<i32>} : memref<64xi32, #tpu.memory_space<vmem>>, vector<16xi32>,
        %swap3A_289 = arith.constant 0 : index
        %swap3A_290 = tpu.vector_load %arg11[%swap3A_289] {strides = array<i32>} : memref<64xi32, #tpu.memory_space<vmem>>, vector<16xi32>,
        tpu.vector_store %arg11[%swap3A_289], %scan3A_279#4 {strides = array<i32>} : memref<64xi32, #tpu.memory_space<vmem>>, vector<16xi32>,
        %swap3A_291 = arith.constant 16 : index
        %swap3A_292 = tpu.vector_load %arg11[%swap3A_291] {strides = array<i32>} : memref<64xi32, #tpu.memory_space<vmem>>, vector<16xi32>,
        tpu.vector_store %arg11[%swap3A_291], %scan3A_279#5 {strides = array<i32>} : memref<64xi32, #tpu.memory_space<vmem>>, vector<16xi32>,
        %swap3A_293 = arith.constant 32 : index
        %swap3A_294 = tpu.vector_load %arg11[%swap3A_293] {strides = array<i32>} : memref<64xi32, #tpu.memory_space<vmem>>, vector<16xi32>,
        tpu.vector_store %arg11[%swap3A_293], %scan3A_279#6 {strides = array<i32>} : memref<64xi32, #tpu.memory_space<vmem>>, vector<16xi32>,
        %swap3A_295 = arith.constant 48 : index
        %swap3A_296 = tpu.vector_load %arg11[%swap3A_295] {strides = array<i32>} : memref<64xi32, #tpu.memory_space<vmem>>, vector<16xi32>,
        tpu.vector_store %arg11[%swap3A_295], %scan3A_279#7 {strides = array<i32>} : memref<64xi32, #tpu.memory_space<vmem>>, vector<16xi32>,
      } else {
      }
      %get3A_16 = arith.constant 0 : index
      %get3A_17 = tpu.vector_load %arg10[%get3A_16] {strides = array<i32>} : memref<64xi32, #tpu.memory_space<vmem>>, vector<16xi32>,
      %shift_right_arithmetic3A = arith.constant 3 : i32
      %shift_right_arithmetic3A_18 = vector.broadcast %shift_right_arithmetic3A : i32 to vector<16xi32>
      %shift_right_arithmetic3A_19 = arith.shrsi %get3A_17, %shift_right_arithmetic3A_18 : vector<16xi32>
      %and3A = arith.constant 7 : i32
      %and3A_20 = vector.broadcast %and3A : i32 to vector<16xi32>
      %and3A_21 = arith.andi %get3A_17, %and3A_20 : vector<16xi32>
      %swap3A = arith.constant 0 : index
      %swap3A_22 = tpu.vector_load %arg15[%swap3A] {strides = array<i32>} : memref<64xi32, #tpu.memory_space<vmem>>, vector<16xi32>,
      tpu.vector_store %arg15[%swap3A], %shift_right_arithmetic3A_19 {strides = array<i32>} : memref<64xi32, #tpu.memory_space<vmem>>, vector<16xi32>,
      %swap3A_23 = arith.constant 0 : index
      %swap3A_24 = tpu.vector_load %arg16[%swap3A_23] {strides = array<i32>} : memref<64xi32, #tpu.memory_space<vmem>>, vector<16xi32>,
      tpu.vector_store %arg16[%swap3A_23], %and3A_21 {strides = array<i32>} : memref<64xi32, #tpu.memory_space<vmem>>, vector<16xi32>,
      %broadcast_in_dim3A_25 = vector.broadcast %add3A : i32 to vector<16xi32>
      %swap3A_26 = arith.constant 0 : index
      %swap3A_27 = tpu.vector_load %arg14[%swap3A_26] {strides = array<i32>} : memref<64xi32, #tpu.memory_space<vmem>>, vector<16xi32>,
      tpu.vector_store %arg14[%swap3A_26], %broadcast_in_dim3A_25 {strides = array<i32>} : memref<64xi32, #tpu.memory_space<vmem>>, vector<16xi32>,
      %mul3A_28 = arith.constant 4096 : i32
      %mul3A_29 = arith.muli %add3A, %mul3A_28 : i32
      %add3A_30 = vector.broadcast %mul3A_29 : i32 to vector<16xi32>
      %add3A_31 = arith.addi %add3A_30, %shift_right_arithmetic3A_19 : vector<16xi32>
      %swap3A_32 = arith.constant 0 : index
      %swap3A_33 = tpu.vector_load %arg12[%swap3A_32] {strides = array<i32>} : memref<64xi32, #tpu.memory_space<vmem>>, vector<16xi32>,
      tpu.vector_store %arg12[%swap3A_32], %add3A_31 {strides = array<i32>} : memref<64xi32, #tpu.memory_space<vmem>>, vector<16xi32>,
      %get3A_34 = arith.constant 16 : index
      %get3A_35 = tpu.vector_load %arg10[%get3A_34] {strides = array<i32>} : memref<64xi32, #tpu.memory_space<vmem>>, vector<16xi32>,
      %shift_right_arithmetic3A_36 = arith.constant 3 : i32
      %shift_right_arithmetic3A_37 = vector.broadcast %shift_right_arithmetic3A_36 : i32 to vector<16xi32>
      %shift_right_arithmetic3A_38 = arith.shrsi %get3A_35, %shift_right_arithmetic3A_37 : vector<16xi32>
      %and3A_39 = arith.constant 7 : i32
      %and3A_40 = vector.broadcast %and3A_39 : i32 to vector<16xi32>
      %and3A_41 = arith.andi %get3A_35, %and3A_40 : vector<16xi32>
      %swap3A_42 = arith.constant 16 : index
      %swap3A_43 = tpu.vector_load %arg15[%swap3A_42] {strides = array<i32>} : memref<64xi32, #tpu.memory_space<vmem>>, vector<16xi32>,
      tpu.vector_store %arg15[%swap3A_42], %shift_right_arithmetic3A_38 {strides = array<i32>} : memref<64xi32, #tpu.memory_space<vmem>>, vector<16xi32>,
      %swap3A_44 = arith.constant 16 : index
      %swap3A_45 = tpu.vector_load %arg16[%swap3A_44] {strides = array<i32>} : memref<64xi32, #tpu.memory_space<vmem>>, vector<16xi32>,
      tpu.vector_store %arg16[%swap3A_44], %and3A_41 {strides = array<i32>} : memref<64xi32, #tpu.memory_space<vmem>>, vector<16xi32>,
      %broadcast_in_dim3A_46 = vector.broadcast %add3A : i32 to vector<16xi32>
      %swap3A_47 = arith.constant 16 : index
      %swap3A_48 = tpu.vector_load %arg14[%swap3A_47] {strides = array<i32>} : memref<64xi32, #tpu.memory_space<vmem>>, vector<16xi32>,
      tpu.vector_store %arg14[%swap3A_47], %broadcast_in_dim3A_46 {strides = array<i32>} : memref<64xi32, #tpu.memory_space<vmem>>, vector<16xi32>,
      %mul3A_49 = arith.constant 4096 : i32
      %mul3A_50 = arith.muli %add3A, %mul3A_49 : i32
      %add3A_51 = vector.broadcast %mul3A_50 : i32 to vector<16xi32>
      %add3A_52 = arith.addi %add3A_51, %shift_right_arithmetic3A_38 : vector<16xi32>
      %swap3A_53 = arith.constant 16 : index
      %swap3A_54 = tpu.vector_load %arg12[%swap3A_53] {strides = array<i32>} : memref<64xi32, #tpu.memory_space<vmem>>, vector<16xi32>,
      tpu.vector_store %arg12[%swap3A_53], %add3A_52 {strides = array<i32>} : memref<64xi32, #tpu.memory_space<vmem>>, vector<16xi32>,
      %get3A_55 = arith.constant 32 : index
      %get3A_56 = tpu.vector_load %arg10[%get3A_55] {strides = array<i32>} : memref<64xi32, #tpu.memory_space<vmem>>, vector<16xi32>,
      %shift_right_arithmetic3A_57 = arith.constant 3 : i32
      %shift_right_arithmetic3A_58 = vector.broadcast %shift_right_arithmetic3A_57 : i32 to vector<16xi32>
      %shift_right_arithmetic3A_59 = arith.shrsi %get3A_56, %shift_right_arithmetic3A_58 : vector<16xi32>
      %and3A_60 = arith.constant 7 : i32
      %and3A_61 = vector.broadcast %and3A_60 : i32 to vector<16xi32>
      %and3A_62 = arith.andi %get3A_56, %and3A_61 : vector<16xi32>
      %swap3A_63 = arith.constant 32 : index
      %swap3A_64 = tpu.vector_load %arg15[%swap3A_63] {strides = array<i32>} : memref<64xi32, #tpu.memory_space<vmem>>, vector<16xi32>,
      tpu.vector_store %arg15[%swap3A_63], %shift_right_arithmetic3A_59 {strides = array<i32>} : memref<64xi32, #tpu.memory_space<vmem>>, vector<16xi32>,
      %swap3A_65 = arith.constant 32 : index
      %swap3A_66 = tpu.vector_load %arg16[%swap3A_65] {strides = array<i32>} : memref<64xi32, #tpu.memory_space<vmem>>, vector<16xi32>,
      tpu.vector_store %arg16[%swap3A_65], %and3A_62 {strides = array<i32>} : memref<64xi32, #tpu.memory_space<vmem>>, vector<16xi32>,
      %broadcast_in_dim3A_67 = vector.broadcast %add3A : i32 to vector<16xi32>
      %swap3A_68 = arith.constant 32 : index
      %swap3A_69 = tpu.vector_load %arg14[%swap3A_68] {strides = array<i32>} : memref<64xi32, #tpu.memory_space<vmem>>, vector<16xi32>,
      tpu.vector_store %arg14[%swap3A_68], %broadcast_in_dim3A_67 {strides = array<i32>} : memref<64xi32, #tpu.memory_space<vmem>>, vector<16xi32>,
      %mul3A_70 = arith.constant 4096 : i32
      %mul3A_71 = arith.muli %add3A, %mul3A_70 : i32
      %add3A_72 = vector.broadcast %mul3A_71 : i32 to vector<16xi32>
      %add3A_73 = arith.addi %add3A_72, %shift_right_arithmetic3A_59 : vector<16xi32>
      %swap3A_74 = arith.constant 32 : index
      %swap3A_75 = tpu.vector_load %arg12[%swap3A_74] {strides = array<i32>} : memref<64xi32, #tpu.memory_space<vmem>>, vector<16xi32>,
      tpu.vector_store %arg12[%swap3A_74], %add3A_73 {strides = array<i32>} : memref<64xi32, #tpu.memory_space<vmem>>, vector<16xi32>,
      %get3A_76 = arith.constant 48 : index
      %get3A_77 = tpu.vector_load %arg10[%get3A_76] {strides = array<i32>} : memref<64xi32, #tpu.memory_space<vmem>>, vector<16xi32>,
      %shift_right_arithmetic3A_78 = arith.constant 3 : i32
      %shift_right_arithmetic3A_79 = vector.broadcast %shift_right_arithmetic3A_78 : i32 to vector<16xi32>
      %shift_right_arithmetic3A_80 = arith.shrsi %get3A_77, %shift_right_arithmetic3A_79 : vector<16xi32>
      %and3A_81 = arith.constant 7 : i32
      %and3A_82 = vector.broadcast %and3A_81 : i32 to vector<16xi32>
      %and3A_83 = arith.andi %get3A_77, %and3A_82 : vector<16xi32>
      %swap3A_84 = arith.constant 48 : index
      %swap3A_85 = tpu.vector_load %arg15[%swap3A_84] {strides = array<i32>} : memref<64xi32, #tpu.memory_space<vmem>>, vector<16xi32>,
      tpu.vector_store %arg15[%swap3A_84], %shift_right_arithmetic3A_80 {strides = array<i32>} : memref<64xi32, #tpu.memory_space<vmem>>, vector<16xi32>,
      %swap3A_86 = arith.constant 48 : index
      %swap3A_87 = tpu.vector_load %arg16[%swap3A_86] {strides = array<i32>} : memref<64xi32, #tpu.memory_space<vmem>>, vector<16xi32>,
      tpu.vector_store %arg16[%swap3A_86], %and3A_83 {strides = array<i32>} : memref<64xi32, #tpu.memory_space<vmem>>, vector<16xi32>,
      %broadcast_in_dim3A_88 = vector.broadcast %add3A : i32 to vector<16xi32>
      %swap3A_89 = arith.constant 48 : index
      %swap3A_90 = tpu.vector_load %arg14[%swap3A_89] {strides = array<i32>} : memref<64xi32, #tpu.memory_space<vmem>>, vector<16xi32>,
      tpu.vector_store %arg14[%swap3A_89], %broadcast_in_dim3A_88 {strides = array<i32>} : memref<64xi32, #tpu.memory_space<vmem>>, vector<16xi32>,
      %mul3A_91 = arith.constant 4096 : i32
      %mul3A_92 = arith.muli %add3A, %mul3A_91 : i32
      %add3A_93 = vector.broadcast %mul3A_92 : i32 to vector<16xi32>
      %add3A_94 = arith.addi %add3A_93, %shift_right_arithmetic3A_80 : vector<16xi32>
      %swap3A_95 = arith.constant 48 : index
      %swap3A_96 = tpu.vector_load %arg12[%swap3A_95] {strides = array<i32>} : memref<64xi32, #tpu.memory_space<vmem>>, vector<16xi32>,
      tpu.vector_store %arg12[%swap3A_95], %add3A_94 {strides = array<i32>} : memref<64xi32, #tpu.memory_space<vmem>>, vector<16xi32>,
      %dma_start3A = arith.constant 0 : i32
      %dma_start3A_97 = arith.constant 0 : i32
      %dma_start3A_98 = tpu.memref_slice %arg5[%dma_start3A, %dma_start3A_97] : memref<16384x128xf32, #tpu.memory_space<hbm>> -> memref<16384x128xf32, #tpu.memory_space<hbm>>
      tpu.enqueue_indirect_dma source(%dma_start3A_98 : memref<16384x128xf32, #tpu.memory_space<hbm>>) target(%arg13 : memref<64x128xf32, #tpu.memory_space<vmem>>) offsets(%arg12 : memref<64xi32, #tpu.memory_space<vmem>>) semaphore(%arg20 : memref<!tpu.dma_semaphore, #tpu.memory_space<semaphore_mem>>)
      %dma_wait3A = arith.constant 0 : i32
      %dma_wait3A_99 = arith.constant 0 : i32
      %dma_wait3A_100 = tpu.memref_slice %arg5[%dma_wait3A, %dma_wait3A_99] : memref<16384x128xf32, #tpu.memory_space<hbm>> -> memref<16384x128xf32, #tpu.memory_space<hbm>>
      tpu.wait_indirect_dma semaphore(%arg20 : memref<!tpu.dma_semaphore, #tpu.memory_space<semaphore_mem>>) src(%dma_wait3A_100 : memref<16384x128xf32, #tpu.memory_space<hbm>>) dst(%arg13 : memref<64x128xf32, #tpu.memory_space<vmem>>)
      %broadcast_in_dim3A_101 = arith.constant 0.000000e+00 : f32
      %broadcast_in_dim3A_102 = vector.broadcast %broadcast_in_dim3A_101 : f32 to vector<16xf32>
      %add3A_103 = arith.constant 0 : i32
      %add3A_104 = vector.broadcast %add3A_103 : i32 to vector<16xi32>
      %add3A_105 = arith.addi %add3A_104, %iota3A : vector<16xi32>
      %get3A_106 = arith.constant 0 : index
      %get3A_107 = tpu.vector_load %arg16[%get3A_106] {strides = array<i32>} : memref<64xi32, #tpu.memory_space<vmem>>, vector<16xi32>,
      %get3A_108 = arith.constant 0 : index
      %get3A_109 = tpu.vector_load %arg11[%get3A_108] {strides = array<i32>} : memref<64xi32, #tpu.memory_space<vmem>>, vector<16xi32>,
      %gather3A = tpu.vector_load_idx %arg13[%add3A_105, %get3A_107] : memref<64x128xf32, #tpu.memory_space<vmem>>[vector<16xi32>, vector<16xi32>], vector<16xf32>,
      %add3A_110 = arith.constant 8 : i32
      %add3A_111 = vector.broadcast %add3A_110 : i32 to vector<16xi32>
      %add3A_112 = arith.addi %get3A_107, %add3A_111 : vector<16xi32>
      %gather3A_113 = tpu.vector_load_idx %arg13[%add3A_105, %add3A_112] : memref<64x128xf32, #tpu.memory_space<vmem>>[vector<16xi32>, vector<16xi32>], vector<16xf32>,
      %eq3A = arith.constant 1 : i32
      %eq3A_114 = vector.broadcast %eq3A : i32 to vector<16xi32>
      %eq3A_115 = arith.cmpi eq, %get3A_109, %eq3A_114 : vector<16xi32>
      %select_n3A = arith.select %eq3A_115, %gather3A_113, %gather3A : vector<16xi1>, vector<16xf32>
      %eq3A_116 = arith.constant 1 : i32
      %eq3A_117 = vector.broadcast %eq3A_116 : i32 to vector<16xi32>
      %eq3A_118 = arith.cmpi eq, %get3A_109, %eq3A_117 : vector<16xi32>
      %select_n3A_119 = arith.select %eq3A_118, %gather3A, %gather3A_113 : vector<16xi1>, vector<16xf32>
      %sub3A = arith.constant 5.000000e+00 : f32
      %sub3A_120 = vector.broadcast %sub3A : f32 to vector<16xf32>
      %sub3A_121 = arith.subf %sub3A_120, %select_n3A : vector<16xf32>
      %add3A_122 = arith.addf %sub3A_121, %select_n3A_119 : vector<16xf32>
      %max3A = arith.constant 0.000000e+00 : f32
      %max3A_123 = vector.broadcast %max3A : f32 to vector<16xf32>
      %max3A_124 = arith.maximumf %max3A_123, %add3A_122 : vector<16xf32>
      %mul3A_125 = arith.constant 5.000000e-01 : f32
      %mul3A_126 = vector.broadcast %mul3A_125 : f32 to vector<16xf32>
      %mul3A_127 = arith.mulf %max3A_124, %mul3A_126 : vector<16xf32>
      %add3A_128 = arith.addf %broadcast_in_dim3A_102, %mul3A_127 : vector<16xf32>
      %gt3A = arith.cmpf ogt, %gather3A_113, %gather3A : vector<16xf32>
      %jit3A = arith.constant 1 : i32
      %jit3A_129 = arith.constant 0 : i32
      %broadcast_in_dim3A_130 = vector.broadcast %jit3A : i32 to vector<16xi32>
      %broadcast_in_dim3A_131 = vector.broadcast %jit3A_129 : i32 to vector<16xi32>
      %select_n3A_132 = arith.select %gt3A, %broadcast_in_dim3A_130, %broadcast_in_dim3A_131 : vector<16xi1>, vector<16xi32>
      %swap3A_133 = arith.constant 0 : index
      %swap3A_134 = tpu.vector_load %arg17[%swap3A_133] {strides = array<i32>} : memref<64xi32, #tpu.memory_space<vmem>>, vector<16xi32>,
      tpu.vector_store %arg17[%swap3A_133], %select_n3A_132 {strides = array<i32>} : memref<64xi32, #tpu.memory_space<vmem>>, vector<16xi32>,
      %add3A_135 = arith.constant 16 : i32
      %add3A_136 = vector.broadcast %add3A_135 : i32 to vector<16xi32>
      %add3A_137 = arith.addi %add3A_136, %iota3A : vector<16xi32>
      %get3A_138 = arith.constant 16 : index
      %get3A_139 = tpu.vector_load %arg16[%get3A_138] {strides = array<i32>} : memref<64xi32, #tpu.memory_space<vmem>>, vector<16xi32>,
      %get3A_140 = arith.constant 16 : index
      %get3A_141 = tpu.vector_load %arg11[%get3A_140] {strides = array<i32>} : memref<64xi32, #tpu.memory_space<vmem>>, vector<16xi32>,
      %gather3A_142 = tpu.vector_load_idx %arg13[%add3A_137, %get3A_139] : memref<64x128xf32, #tpu.memory_space<vmem>>[vector<16xi32>, vector<16xi32>], vector<16xf32>,
      %add3A_143 = arith.constant 8 : i32
      %add3A_144 = vector.broadcast %add3A_143 : i32 to vector<16xi32>
      %add3A_145 = arith.addi %get3A_139, %add3A_144 : vector<16xi32>
      %gather3A_146 = tpu.vector_load_idx %arg13[%add3A_137, %add3A_145] : memref<64x128xf32, #tpu.memory_space<vmem>>[vector<16xi32>, vector<16xi32>], vector<16xf32>,
      %eq3A_147 = arith.constant 1 : i32
      %eq3A_148 = vector.broadcast %eq3A_147 : i32 to vector<16xi32>
      %eq3A_149 = arith.cmpi eq, %get3A_141, %eq3A_148 : vector<16xi32>
      %select_n3A_150 = arith.select %eq3A_149, %gather3A_146, %gather3A_142 : vector<16xi1>, vector<16xf32>
      %eq3A_151 = arith.constant 1 : i32
      %eq3A_152 = vector.broadcast %eq3A_151 : i32 to vector<16xi32>
      %eq3A_153 = arith.cmpi eq, %get3A_141, %eq3A_152 : vector<16xi32>
      %select_n3A_154 = arith.select %eq3A_153, %gather3A_142, %gather3A_146 : vector<16xi1>, vector<16xf32>
      %sub3A_155 = arith.constant 5.000000e+00 : f32
      %sub3A_156 = vector.broadcast %sub3A_155 : f32 to vector<16xf32>
      %sub3A_157 = arith.subf %sub3A_156, %select_n3A_150 : vector<16xf32>
      %add3A_158 = arith.addf %sub3A_157, %select_n3A_154 : vector<16xf32>
      %max3A_159 = arith.constant 0.000000e+00 : f32
      %max3A_160 = vector.broadcast %max3A_159 : f32 to vector<16xf32>
      %max3A_161 = arith.maximumf %max3A_160, %add3A_158 : vector<16xf32>
      %mul3A_162 = arith.constant 5.000000e-01 : f32
      %mul3A_163 = vector.broadcast %mul3A_162 : f32 to vector<16xf32>
      %mul3A_164 = arith.mulf %max3A_161, %mul3A_163 : vector<16xf32>
      %add3A_165 = arith.addf %add3A_128, %mul3A_164 : vector<16xf32>
      %gt3A_166 = arith.cmpf ogt, %gather3A_146, %gather3A_142 : vector<16xf32>
      %jit3A_167 = arith.constant 1 : i32
      %jit3A_168 = arith.constant 0 : i32
      %broadcast_in_dim3A_169 = vector.broadcast %jit3A_167 : i32 to vector<16xi32>
      %broadcast_in_dim3A_170 = vector.broadcast %jit3A_168 : i32 to vector<16xi32>
      %select_n3A_171 = arith.select %gt3A_166, %broadcast_in_dim3A_169, %broadcast_in_dim3A_170 : vector<16xi1>, vector<16xi32>
      %swap3A_172 = arith.constant 16 : index
      %swap3A_173 = tpu.vector_load %arg17[%swap3A_172] {strides = array<i32>} : memref<64xi32, #tpu.memory_space<vmem>>, vector<16xi32>,
      tpu.vector_store %arg17[%swap3A_172], %select_n3A_171 {strides = array<i32>} : memref<64xi32, #tpu.memory_space<vmem>>, vector<16xi32>,
      %add3A_174 = arith.constant 32 : i32
      %add3A_175 = vector.broadcast %add3A_174 : i32 to vector<16xi32>
      %add3A_176 = arith.addi %add3A_175, %iota3A : vector<16xi32>
      %get3A_177 = arith.constant 32 : index
      %get3A_178 = tpu.vector_load %arg16[%get3A_177] {strides = array<i32>} : memref<64xi32, #tpu.memory_space<vmem>>, vector<16xi32>,
      %get3A_179 = arith.constant 32 : index
      %get3A_180 = tpu.vector_load %arg11[%get3A_179] {strides = array<i32>} : memref<64xi32, #tpu.memory_space<vmem>>, vector<16xi32>,
      %gather3A_181 = tpu.vector_load_idx %arg13[%add3A_176, %get3A_178] : memref<64x128xf32, #tpu.memory_space<vmem>>[vector<16xi32>, vector<16xi32>], vector<16xf32>,
      %add3A_182 = arith.constant 8 : i32
      %add3A_183 = vector.broadcast %add3A_182 : i32 to vector<16xi32>
      %add3A_184 = arith.addi %get3A_178, %add3A_183 : vector<16xi32>
      %gather3A_185 = tpu.vector_load_idx %arg13[%add3A_176, %add3A_184] : memref<64x128xf32, #tpu.memory_space<vmem>>[vector<16xi32>, vector<16xi32>], vector<16xf32>,
      %eq3A_186 = arith.constant 1 : i32
      %eq3A_187 = vector.broadcast %eq3A_186 : i32 to vector<16xi32>
      %eq3A_188 = arith.cmpi eq, %get3A_180, %eq3A_187 : vector<16xi32>
      %select_n3A_189 = arith.select %eq3A_188, %gather3A_185, %gather3A_181 : vector<16xi1>, vector<16xf32>
      %eq3A_190 = arith.constant 1 : i32
      %eq3A_191 = vector.broadcast %eq3A_190 : i32 to vector<16xi32>
      %eq3A_192 = arith.cmpi eq, %get3A_180, %eq3A_191 : vector<16xi32>
      %select_n3A_193 = arith.select %eq3A_192, %gather3A_181, %gather3A_185 : vector<16xi1>, vector<16xf32>
      %sub3A_194 = arith.constant 5.000000e+00 : f32
      %sub3A_195 = vector.broadcast %sub3A_194 : f32 to vector<16xf32>
      %sub3A_196 = arith.subf %sub3A_195, %select_n3A_189 : vector<16xf32>
      %add3A_197 = arith.addf %sub3A_196, %select_n3A_193 : vector<16xf32>
      %max3A_198 = arith.constant 0.000000e+00 : f32
      %max3A_199 = vector.broadcast %max3A_198 : f32 to vector<16xf32>
      %max3A_200 = arith.maximumf %max3A_199, %add3A_197 : vector<16xf32>
      %mul3A_201 = arith.constant 5.000000e-01 : f32
      %mul3A_202 = vector.broadcast %mul3A_201 : f32 to vector<16xf32>
      %mul3A_203 = arith.mulf %max3A_200, %mul3A_202 : vector<16xf32>
      %add3A_204 = arith.addf %add3A_165, %mul3A_203 : vector<16xf32>
      %gt3A_205 = arith.cmpf ogt, %gather3A_185, %gather3A_181 : vector<16xf32>
      %jit3A_206 = arith.constant 1 : i32
      %jit3A_207 = arith.constant 0 : i32
      %broadcast_in_dim3A_208 = vector.broadcast %jit3A_206 : i32 to vector<16xi32>
      %broadcast_in_dim3A_209 = vector.broadcast %jit3A_207 : i32 to vector<16xi32>
      %select_n3A_210 = arith.select %gt3A_205, %broadcast_in_dim3A_208, %broadcast_in_dim3A_209 : vector<16xi1>, vector<16xi32>
      %swap3A_211 = arith.constant 32 : index
      %swap3A_212 = tpu.vector_load %arg17[%swap3A_211] {strides = array<i32>} : memref<64xi32, #tpu.memory_space<vmem>>, vector<16xi32>,
      tpu.vector_store %arg17[%swap3A_211], %select_n3A_210 {strides = array<i32>} : memref<64xi32, #tpu.memory_space<vmem>>, vector<16xi32>,
      %add3A_213 = arith.constant 48 : i32
      %add3A_214 = vector.broadcast %add3A_213 : i32 to vector<16xi32>
      %add3A_215 = arith.addi %add3A_214, %iota3A : vector<16xi32>
      %get3A_216 = arith.constant 48 : index
      %get3A_217 = tpu.vector_load %arg16[%get3A_216] {strides = array<i32>} : memref<64xi32, #tpu.memory_space<vmem>>, vector<16xi32>,
      %get3A_218 = arith.constant 48 : index
      %get3A_219 = tpu.vector_load %arg11[%get3A_218] {strides = array<i32>} : memref<64xi32, #tpu.memory_space<vmem>>, vector<16xi32>,
      %gather3A_220 = tpu.vector_load_idx %arg13[%add3A_215, %get3A_217] : memref<64x128xf32, #tpu.memory_space<vmem>>[vector<16xi32>, vector<16xi32>], vector<16xf32>,
      %add3A_221 = arith.constant 8 : i32
      %add3A_222 = vector.broadcast %add3A_221 : i32 to vector<16xi32>
      %add3A_223 = arith.addi %get3A_217, %add3A_222 : vector<16xi32>
      %gather3A_224 = tpu.vector_load_idx %arg13[%add3A_215, %add3A_223] : memref<64x128xf32, #tpu.memory_space<vmem>>[vector<16xi32>, vector<16xi32>], vector<16xf32>,
      %eq3A_225 = arith.constant 1 : i32
      %eq3A_226 = vector.broadcast %eq3A_225 : i32 to vector<16xi32>
      %eq3A_227 = arith.cmpi eq, %get3A_219, %eq3A_226 : vector<16xi32>
      %select_n3A_228 = arith.select %eq3A_227, %gather3A_224, %gather3A_220 : vector<16xi1>, vector<16xf32>
      %eq3A_229 = arith.constant 1 : i32
      %eq3A_230 = vector.broadcast %eq3A_229 : i32 to vector<16xi32>
      %eq3A_231 = arith.cmpi eq, %get3A_219, %eq3A_230 : vector<16xi32>
      %select_n3A_232 = arith.select %eq3A_231, %gather3A_220, %gather3A_224 : vector<16xi1>, vector<16xf32>
      %sub3A_233 = arith.constant 5.000000e+00 : f32
      %sub3A_234 = vector.broadcast %sub3A_233 : f32 to vector<16xf32>
      %sub3A_235 = arith.subf %sub3A_234, %select_n3A_228 : vector<16xf32>
      %add3A_236 = arith.addf %sub3A_235, %select_n3A_232 : vector<16xf32>
      %max3A_237 = arith.constant 0.000000e+00 : f32
      %max3A_238 = vector.broadcast %max3A_237 : f32 to vector<16xf32>
      %max3A_239 = arith.maximumf %max3A_238, %add3A_236 : vector<16xf32>
      %mul3A_240 = arith.constant 5.000000e-01 : f32
      %mul3A_241 = vector.broadcast %mul3A_240 : f32 to vector<16xf32>
      %mul3A_242 = arith.mulf %max3A_239, %mul3A_241 : vector<16xf32>
      %add3A_243 = arith.addf %add3A_204, %mul3A_242 : vector<16xf32>
      %gt3A_244 = arith.cmpf ogt, %gather3A_224, %gather3A_220 : vector<16xf32>
      %jit3A_245 = arith.constant 1 : i32
      %jit3A_246 = arith.constant 0 : i32
      %broadcast_in_dim3A_247 = vector.broadcast %jit3A_245 : i32 to vector<16xi32>
      %broadcast_in_dim3A_248 = vector.broadcast %jit3A_246 : i32 to vector<16xi32>
      %select_n3A_249 = arith.select %gt3A_244, %broadcast_in_dim3A_247, %broadcast_in_dim3A_248 : vector<16xi1>, vector<16xi32>
      %swap3A_250 = arith.constant 48 : index
      %swap3A_251 = tpu.vector_load %arg17[%swap3A_250] {strides = array<i32>} : memref<64xi32, #tpu.memory_space<vmem>>, vector<16xi32>,
      tpu.vector_store %arg17[%swap3A_250], %select_n3A_249 {strides = array<i32>} : memref<64xi32, #tpu.memory_space<vmem>>, vector<16xi32>,
      %swap3A_252 = arith.constant 0 : index
      %swap3A_253 = tpu.vector_load %arg18[%swap3A_252] {strides = array<i32>} : memref<16xf32, #tpu.memory_space<vmem>>, vector<16xf32>,
      tpu.vector_store %arg18[%swap3A_252], %add3A_243 {strides = array<i32>} : memref<16xf32, #tpu.memory_space<vmem>>, vector<16xf32>,
      %mul3A_254 = arith.constant 3 : i32
      %mul3A_255 = arith.muli %add3A, %mul3A_254 : i32
      %mul3A_256 = arith.constant 64 : i32
      %mul3A_257 = arith.muli %mul3A_255, %mul3A_256 : i32
      "tpu.region"() ({
        %run_scoped3A = tpu.sem_alloc : memref<!tpu.dma_semaphore, #tpu.memory_space<semaphore_mem>>
        %dma_start3A_274 = tpu.memref_slice %arg6[%mul3A_257] : memref<768xi32, #tpu.memory_space<hbm>> -> memref<64xi32, #tpu.memory_space<hbm>>
        %dma_start3A_275 = tpu.memref_slice %arg6[%mul3A_257] : memref<768xi32, #tpu.memory_space<hbm>> -> memref<64xi32, #tpu.memory_space<hbm>>
        tpu.enqueue_dma source(%arg14 : memref<64xi32, #tpu.memory_space<vmem>>) target(%dma_start3A_275 : memref<64xi32, #tpu.memory_space<hbm>>) target_semaphore(%run_scoped3A : memref<!tpu.dma_semaphore, #tpu.memory_space<semaphore_mem>>)
        %dma_wait3A_276 = tpu.memref_slice %arg6[%mul3A_257] : memref<768xi32, #tpu.memory_space<hbm>> -> memref<64xi32, #tpu.memory_space<hbm>>
        %dma_wait3A_277 = tpu.memref_slice %arg6[%mul3A_257] : memref<768xi32, #tpu.memory_space<hbm>> -> memref<64xi32, #tpu.memory_space<hbm>>
        tpu.wait_dma2 semaphore(%run_scoped3A : memref<!tpu.dma_semaphore, #tpu.memory_space<semaphore_mem>>) src(%arg14 : memref<64xi32, #tpu.memory_space<vmem>>) dst(%dma_wait3A_277 : memref<64xi32, #tpu.memory_space<hbm>>)
        tpu.yield
      }) : () -> ()
      %mul3A_258 = arith.constant 3 : i32
      %mul3A_259 = arith.muli %add3A, %mul3A_258 : i32
      %mul3A_260 = arith.constant 64 : i32
      %mul3A_261 = arith.muli %mul3A_259, %mul3A_260 : i32
      %add3A_262 = arith.constant 64 : i32
      %add3A_263 = arith.addi %mul3A_261, %add3A_262 : i32
      "tpu.region"() ({
        %run_scoped3A = tpu.sem_alloc : memref<!tpu.dma_semaphore, #tpu.memory_space<semaphore_mem>>
        %dma_start3A_274 = tpu.memref_slice %arg6[%add3A_263] : memref<768xi32, #tpu.memory_space<hbm>> -> memref<64xi32, #tpu.memory_space<hbm>>
        %dma_start3A_275 = tpu.memref_slice %arg6[%add3A_263] : memref<768xi32, #tpu.memory_space<hbm>> -> memref<64xi32, #tpu.memory_space<hbm>>
        tpu.enqueue_dma source(%arg15 : memref<64xi32, #tpu.memory_space<vmem>>) target(%dma_start3A_275 : memref<64xi32, #tpu.memory_space<hbm>>) target_semaphore(%run_scoped3A : memref<!tpu.dma_semaphore, #tpu.memory_space<semaphore_mem>>)
        %dma_wait3A_276 = tpu.memref_slice %arg6[%add3A_263] : memref<768xi32, #tpu.memory_space<hbm>> -> memref<64xi32, #tpu.memory_space<hbm>>
        %dma_wait3A_277 = tpu.memref_slice %arg6[%add3A_263] : memref<768xi32, #tpu.memory_space<hbm>> -> memref<64xi32, #tpu.memory_space<hbm>>
        tpu.wait_dma2 semaphore(%run_scoped3A : memref<!tpu.dma_semaphore, #tpu.memory_space<semaphore_mem>>) src(%arg15 : memref<64xi32, #tpu.memory_space<vmem>>) dst(%dma_wait3A_277 : memref<64xi32, #tpu.memory_space<hbm>>)
        tpu.yield
      }) : () -> ()
      %mul3A_264 = arith.constant 3 : i32
      %mul3A_265 = arith.muli %add3A, %mul3A_264 : i32
      %mul3A_266 = arith.constant 64 : i32
      %mul3A_267 = arith.muli %mul3A_265, %mul3A_266 : i32
      %add3A_268 = arith.constant 128 : i32
      %add3A_269 = arith.addi %mul3A_267, %add3A_268 : i32
      "tpu.region"() ({
        %run_scoped3A = tpu.sem_alloc : memref<!tpu.dma_semaphore, #tpu.memory_space<semaphore_mem>>
        %dma_start3A_274 = tpu.memref_slice %arg6[%add3A_269] : memref<768xi32, #tpu.memory_space<hbm>> -> memref<64xi32, #tpu.memory_space<hbm>>
        %dma_start3A_275 = tpu.memref_slice %arg6[%add3A_269] : memref<768xi32, #tpu.memory_space<hbm>> -> memref<64xi32, #tpu.memory_space<hbm>>
        tpu.enqueue_dma source(%arg16 : memref<64xi32, #tpu.memory_space<vmem>>) target(%dma_start3A_275 : memref<64xi32, #tpu.memory_space<hbm>>) target_semaphore(%run_scoped3A : memref<!tpu.dma_semaphore, #tpu.memory_space<semaphore_mem>>)
        %dma_wait3A_276 = tpu.memref_slice %arg6[%add3A_269] : memref<768xi32, #tpu.memory_space<hbm>> -> memref<64xi32, #tpu.memory_space<hbm>>
        %dma_wait3A_277 = tpu.memref_slice %arg6[%add3A_269] : memref<768xi32, #tpu.memory_space<hbm>> -> memref<64xi32, #tpu.memory_space<hbm>>
        tpu.wait_dma2 semaphore(%run_scoped3A : memref<!tpu.dma_semaphore, #tpu.memory_space<semaphore_mem>>) src(%arg16 : memref<64xi32, #tpu.memory_space<vmem>>) dst(%dma_wait3A_277 : memref<64xi32, #tpu.memory_space<hbm>>)
        tpu.yield
      }) : () -> ()
      %mul3A_270 = arith.constant 64 : i32
      %mul3A_271 = arith.muli %add3A, %mul3A_270 : i32
      "tpu.region"() ({
        %run_scoped3A = tpu.sem_alloc : memref<!tpu.dma_semaphore, #tpu.memory_space<semaphore_mem>>
        %dma_start3A_274 = tpu.memref_slice %arg7[%mul3A_271] : memref<256xi32, #tpu.memory_space<hbm>> -> memref<64xi32, #tpu.memory_space<hbm>>
        %dma_start3A_275 = tpu.memref_slice %arg7[%mul3A_271] : memref<256xi32, #tpu.memory_space<hbm>> -> memref<64xi32, #tpu.memory_space<hbm>>
        tpu.enqueue_dma source(%arg17 : memref<64xi32, #tpu.memory_space<vmem>>) target(%dma_start3A_275 : memref<64xi32, #tpu.memory_space<hbm>>) target_semaphore(%run_scoped3A : memref<!tpu.dma_semaphore, #tpu.memory_space<semaphore_mem>>)
        %dma_wait3A_276 = tpu.memref_slice %arg7[%mul3A_271] : memref<256xi32, #tpu.memory_space<hbm>> -> memref<64xi32, #tpu.memory_space<hbm>>
        %dma_wait3A_277 = tpu.memref_slice %arg7[%mul3A_271] : memref<256xi32, #tpu.memory_space<hbm>> -> memref<64xi32, #tpu.memory_space<hbm>>
        tpu.wait_dma2 semaphore(%run_scoped3A : memref<!tpu.dma_semaphore, #tpu.memory_space<semaphore_mem>>) src(%arg17 : memref<64xi32, #tpu.memory_space<vmem>>) dst(%dma_wait3A_277 : memref<64xi32, #tpu.memory_space<hbm>>)
        tpu.yield
      }) : () -> ()
      %mul3A_272 = arith.constant 16 : i32
      %mul3A_273 = arith.muli %add3A, %mul3A_272 : i32
      "tpu.region"() ({
        %run_scoped3A = tpu.sem_alloc : memref<!tpu.dma_semaphore, #tpu.memory_space<semaphore_mem>>
        %dma_start3A_274 = tpu.memref_slice %arg8[%mul3A_273] : memref<64xf32, #tpu.memory_space<hbm>> -> memref<16xf32, #tpu.memory_space<hbm>>
        %dma_start3A_275 = tpu.memref_slice %arg8[%mul3A_273] : memref<64xf32, #tpu.memory_space<hbm>> -> memref<16xf32, #tpu.memory_space<hbm>>
        tpu.enqueue_dma source(%arg18 : memref<16xf32, #tpu.memory_space<vmem>>) target(%dma_start3A_275 : memref<16xf32, #tpu.memory_space<hbm>>) target_semaphore(%run_scoped3A : memref<!tpu.dma_semaphore, #tpu.memory_space<semaphore_mem>>)
        %dma_wait3A_276 = tpu.memref_slice %arg8[%mul3A_273] : memref<64xf32, #tpu.memory_space<hbm>> -> memref<16xf32, #tpu.memory_space<hbm>>
        %dma_wait3A_277 = tpu.memref_slice %arg8[%mul3A_273] : memref<64xf32, #tpu.memory_space<hbm>> -> memref<16xf32, #tpu.memory_space<hbm>>
        tpu.wait_dma2 semaphore(%run_scoped3A : memref<!tpu.dma_semaphore, #tpu.memory_space<semaphore_mem>>) src(%arg18 : memref<16xf32, #tpu.memory_space<vmem>>) dst(%dma_wait3A_277 : memref<16xf32, #tpu.memory_space<hbm>>)
        tpu.yield
      }) : () -> ()
    } else {
    }
    return
  }
}

#map = affine_map<(d0, d1) -> (0)>
module attributes {stable_mosaic.version = 14 : i64} {
  func.func @_pick_kernel(%arg0: i32, %arg1: i32, %arg2: memref<131072xi32, #tpu.memory_space<hbm>>, %arg3: memref<256xi32, #tpu.memory_space<hbm>>, %arg4: memref<64xi32, #tpu.memory_space<hbm>>, %arg5: memref<32768xi32, #tpu.memory_space<vmem>>, %arg6: memref<96xi32, #tpu.memory_space<vmem>>, %arg7: memref<16xi32, #tpu.memory_space<vmem>>, %arg8: memref<16xi32, #tpu.memory_space<vmem>>) attributes {dimension_semantics = [#tpu.dimension_semantics<core_parallel>, #tpu.dimension_semantics<subcore_parallel>], iteration_bounds = array<i64: 2, 16>, scalar_prefetch = 0 : i64, scratch_operands = 4 : i64, tpu.core_type = #tpu.core_type<sc_vector_subcore>, window_params = [{transform_indices = #map}, {transform_indices = #map}, {transform_indices = #map}]} {
    %mul3A = arith.constant 2 : i32
    %mul3A_0 = arith.muli %arg0, %mul3A : i32
    %add3A = arith.addi %mul3A_0, %arg1 : i32
    %iota3A = tpu.iota {dimensions = array<i32: 0>} : vector<16xi32>
    %broadcast_in_dim3A = arith.constant 0 : i32
    %broadcast_in_dim3A_1 = vector.broadcast %broadcast_in_dim3A : i32 to vector<16xi32>
    %broadcast_in_dim3A_2 = arith.constant 15 : i32
    %broadcast_in_dim3A_3 = vector.broadcast %broadcast_in_dim3A_2 : i32 to vector<16xi32>
    %broadcast_in_dim3A_4 = arith.constant 64 : i32
    %broadcast_in_dim3A_5 = vector.broadcast %broadcast_in_dim3A_4 : i32 to vector<16xi32>
    %broadcast_in_dim3A_6 = arith.constant 80 : i32
    %broadcast_in_dim3A_7 = vector.broadcast %broadcast_in_dim3A_6 : i32 to vector<16xi32>
    %lt3A = arith.constant 2 : i32
    %lt3A_8 = arith.cmpi slt, %arg1, %lt3A : i32
    %convert_element_type3A = arith.extui %lt3A_8 : i1 to i32
    %cond3A = arith.constant 0 : i32
    %cond3A_9 = arith.cmpi ne, %convert_element_type3A, %cond3A : i32
    scf.if %cond3A_9 {
      %mul3A_10 = arith.constant 32768 : i32
      %mul3A_11 = arith.muli %add3A, %mul3A_10 : i32
      "tpu.region"() ({
        %run_scoped3A = tpu.sem_alloc : memref<!tpu.dma_semaphore, #tpu.memory_space<semaphore_mem>>
        %dma_start3A = tpu.memref_slice %arg2[%mul3A_11] : memref<131072xi32, #tpu.memory_space<hbm>> -> memref<32768xi32, #tpu.memory_space<hbm>>
        %dma_start3A_22 = tpu.memref_slice %arg2[%mul3A_11] : memref<131072xi32, #tpu.memory_space<hbm>> -> memref<32768xi32, #tpu.memory_space<hbm>>
        tpu.enqueue_dma source(%dma_start3A_22 : memref<32768xi32, #tpu.memory_space<hbm>>) target(%arg5 : memref<32768xi32, #tpu.memory_space<vmem>>) target_semaphore(%run_scoped3A : memref<!tpu.dma_semaphore, #tpu.memory_space<semaphore_mem>>)
        %dma_wait3A = tpu.memref_slice %arg2[%mul3A_11] : memref<131072xi32, #tpu.memory_space<hbm>> -> memref<32768xi32, #tpu.memory_space<hbm>>
        %dma_wait3A_23 = tpu.memref_slice %arg2[%mul3A_11] : memref<131072xi32, #tpu.memory_space<hbm>> -> memref<32768xi32, #tpu.memory_space<hbm>>
        tpu.wait_dma2 semaphore(%run_scoped3A : memref<!tpu.dma_semaphore, #tpu.memory_space<semaphore_mem>>) src(%dma_wait3A_23 : memref<32768xi32, #tpu.memory_space<hbm>>) dst(%arg5 : memref<32768xi32, #tpu.memory_space<vmem>>)
        tpu.yield
      }) : () -> ()
      %scan3A = arith.constant 0 : i32
      %scan3A_12 = arith.constant 2048 : i32
      %scan3A_13 = arith.addi %scan3A, %scan3A_12 : i32
      %scan3A_14 = arith.constant 1 : i32
      %scan3A_15 = scf.for %scan3A_22 = %scan3A to %scan3A_13 step %scan3A_14 iter_args(%scan3A_23 = %broadcast_in_dim3A_1) -> (vector<16xi32>)  : i32 {
        %mul3A_24 = arith.constant 16 : i32
        %mul3A_25 = arith.muli %scan3A_22, %mul3A_24 : i32
        %get3A = arith.index_cast %mul3A_25 : i32 to index
        %get3A_26 = tpu.vector_load %arg5[%get3A] {strides = array<i32>} : memref<32768xi32, #tpu.memory_space<vmem>>, vector<16xi32>,
        %swap3A_27 = arith.constant 0 : index
        %swap3A_28 = tpu.vector_load %arg7[%swap3A_27] {strides = array<i32>} : memref<16xi32, #tpu.memory_space<vmem>>, vector<16xi32>,
        tpu.vector_store %arg7[%swap3A_27], %get3A_26 {strides = array<i32>} : memref<16xi32, #tpu.memory_space<vmem>>, vector<16xi32>,
        %sub3A = arith.constant 1 : i32
        %sub3A_29 = vector.broadcast %sub3A : i32 to vector<16xi32>
        %sub3A_30 = arith.subi %iota3A, %sub3A_29 : vector<16xi32>
        %max3A = arith.constant 0 : i32
        %max3A_31 = vector.broadcast %max3A : i32 to vector<16xi32>
        %max3A_32 = arith.maxsi %sub3A_30, %max3A_31 : vector<16xi32>
        %gather3A = tpu.vector_load_idx %arg7[%max3A_32] : memref<16xi32, #tpu.memory_space<vmem>>[vector<16xi32>], vector<16xi32>,
        %ge3A = arith.constant 1 : i32
        %ge3A_33 = vector.broadcast %ge3A : i32 to vector<16xi32>
        %ge3A_34 = arith.cmpi sge, %iota3A, %ge3A_33 : vector<16xi32>
        %jit3A = arith.constant 0 : i32
        %broadcast_in_dim3A_35 = vector.broadcast %jit3A : i32 to vector<16xi32>
        %select_n3A = arith.select %ge3A_34, %gather3A, %broadcast_in_dim3A_35 : vector<16xi1>, vector<16xi32>
        %add3A_36 = arith.addi %get3A_26, %select_n3A : vector<16xi32>
        %swap3A_37 = arith.constant 0 : index
        %swap3A_38 = tpu.vector_load %arg7[%swap3A_37] {strides = array<i32>} : memref<16xi32, #tpu.memory_space<vmem>>, vector<16xi32>,
        tpu.vector_store %arg7[%swap3A_37], %add3A_36 {strides = array<i32>} : memref<16xi32, #tpu.memory_space<vmem>>, vector<16xi32>,
        %sub3A_39 = arith.constant 2 : i32
        %sub3A_40 = vector.broadcast %sub3A_39 : i32 to vector<16xi32>
        %sub3A_41 = arith.subi %iota3A, %sub3A_40 : vector<16xi32>
        %max3A_42 = arith.constant 0 : i32
        %max3A_43 = vector.broadcast %max3A_42 : i32 to vector<16xi32>
        %max3A_44 = arith.maxsi %sub3A_41, %max3A_43 : vector<16xi32>
        %gather3A_45 = tpu.vector_load_idx %arg7[%max3A_44] : memref<16xi32, #tpu.memory_space<vmem>>[vector<16xi32>], vector<16xi32>,
        %ge3A_46 = arith.constant 2 : i32
        %ge3A_47 = vector.broadcast %ge3A_46 : i32 to vector<16xi32>
        %ge3A_48 = arith.cmpi sge, %iota3A, %ge3A_47 : vector<16xi32>
        %jit3A_49 = arith.constant 0 : i32
        %broadcast_in_dim3A_50 = vector.broadcast %jit3A_49 : i32 to vector<16xi32>
        %select_n3A_51 = arith.select %ge3A_48, %gather3A_45, %broadcast_in_dim3A_50 : vector<16xi1>, vector<16xi32>
        %add3A_52 = arith.addi %add3A_36, %select_n3A_51 : vector<16xi32>
        %swap3A_53 = arith.constant 0 : index
        %swap3A_54 = tpu.vector_load %arg7[%swap3A_53] {strides = array<i32>} : memref<16xi32, #tpu.memory_space<vmem>>, vector<16xi32>,
        tpu.vector_store %arg7[%swap3A_53], %add3A_52 {strides = array<i32>} : memref<16xi32, #tpu.memory_space<vmem>>, vector<16xi32>,
        %sub3A_55 = arith.constant 4 : i32
        %sub3A_56 = vector.broadcast %sub3A_55 : i32 to vector<16xi32>
        %sub3A_57 = arith.subi %iota3A, %sub3A_56 : vector<16xi32>
        %max3A_58 = arith.constant 0 : i32
        %max3A_59 = vector.broadcast %max3A_58 : i32 to vector<16xi32>
        %max3A_60 = arith.maxsi %sub3A_57, %max3A_59 : vector<16xi32>
        %gather3A_61 = tpu.vector_load_idx %arg7[%max3A_60] : memref<16xi32, #tpu.memory_space<vmem>>[vector<16xi32>], vector<16xi32>,
        %ge3A_62 = arith.constant 4 : i32
        %ge3A_63 = vector.broadcast %ge3A_62 : i32 to vector<16xi32>
        %ge3A_64 = arith.cmpi sge, %iota3A, %ge3A_63 : vector<16xi32>
        %jit3A_65 = arith.constant 0 : i32
        %broadcast_in_dim3A_66 = vector.broadcast %jit3A_65 : i32 to vector<16xi32>
        %select_n3A_67 = arith.select %ge3A_64, %gather3A_61, %broadcast_in_dim3A_66 : vector<16xi1>, vector<16xi32>
        %add3A_68 = arith.addi %add3A_52, %select_n3A_67 : vector<16xi32>
        %swap3A_69 = arith.constant 0 : index
        %swap3A_70 = tpu.vector_load %arg7[%swap3A_69] {strides = array<i32>} : memref<16xi32, #tpu.memory_space<vmem>>, vector<16xi32>,
        tpu.vector_store %arg7[%swap3A_69], %add3A_68 {strides = array<i32>} : memref<16xi32, #tpu.memory_space<vmem>>, vector<16xi32>,
        %sub3A_71 = arith.constant 8 : i32
        %sub3A_72 = vector.broadcast %sub3A_71 : i32 to vector<16xi32>
        %sub3A_73 = arith.subi %iota3A, %sub3A_72 : vector<16xi32>
        %max3A_74 = arith.constant 0 : i32
        %max3A_75 = vector.broadcast %max3A_74 : i32 to vector<16xi32>
        %max3A_76 = arith.maxsi %sub3A_73, %max3A_75 : vector<16xi32>
        %gather3A_77 = tpu.vector_load_idx %arg7[%max3A_76] : memref<16xi32, #tpu.memory_space<vmem>>[vector<16xi32>], vector<16xi32>,
        %ge3A_78 = arith.constant 8 : i32
        %ge3A_79 = vector.broadcast %ge3A_78 : i32 to vector<16xi32>
        %ge3A_80 = arith.cmpi sge, %iota3A, %ge3A_79 : vector<16xi32>
        %jit3A_81 = arith.constant 0 : i32
        %broadcast_in_dim3A_82 = vector.broadcast %jit3A_81 : i32 to vector<16xi32>
        %select_n3A_83 = arith.select %ge3A_80, %gather3A_77, %broadcast_in_dim3A_82 : vector<16xi1>, vector<16xi32>
        %add3A_84 = arith.addi %add3A_68, %select_n3A_83 : vector<16xi32>
        %swap3A_85 = arith.constant 0 : index
        %swap3A_86 = tpu.vector_load %arg7[%swap3A_85] {strides = array<i32>} : memref<16xi32, #tpu.memory_space<vmem>>, vector<16xi32>,
        tpu.vector_store %arg7[%swap3A_85], %add3A_84 {strides = array<i32>} : memref<16xi32, #tpu.memory_space<vmem>>, vector<16xi32>,
        %gather3A_87 = tpu.vector_load_idx %arg7[%broadcast_in_dim3A_3] : memref<16xi32, #tpu.memory_space<vmem>>[vector<16xi32>], vector<16xi32>,
        %eq3A = arith.constant 1 : i32
        %eq3A_88 = vector.broadcast %eq3A : i32 to vector<16xi32>
        %eq3A_89 = arith.cmpi eq, %get3A_26, %eq3A_88 : vector<16xi32>
        %add3A_90 = arith.addi %scan3A_23, %add3A_84 : vector<16xi32>
        %sub3A_91 = arith.constant 1 : i32
        %sub3A_92 = vector.broadcast %sub3A_91 : i32 to vector<16xi32>
        %sub3A_93 = arith.subi %add3A_90, %sub3A_92 : vector<16xi32>
        %lt3A_94 = arith.cmpi slt, %sub3A_93, %broadcast_in_dim3A_5 : vector<16xi32>
        %and3A = arith.andi %eq3A_89, %lt3A_94 : vector<16xi1>
        %select_n3A_95 = arith.select %and3A, %sub3A_93, %broadcast_in_dim3A_7 : vector<16xi1>, vector<16xi32>
        %mul3A_96 = arith.constant 16 : i32
        %mul3A_97 = arith.muli %scan3A_22, %mul3A_96 : i32
        %add3A_98 = vector.broadcast %mul3A_97 : i32 to vector<16xi32>
        %add3A_99 = arith.addi %add3A_98, %iota3A : vector<16xi32>
        tpu.vector_store_idx %arg6[%select_n3A_95], %add3A_99 : memref<96xi32, #tpu.memory_space<vmem>>[vector<16xi32>], vector<16xi32>,
        %add3A_100 = arith.addi %scan3A_23, %gather3A_87 : vector<16xi32>
        scf.yield %add3A_100 : vector<16xi32>
      }
      %scan3A_16 = arith.constant 2048 : i32
      %swap3A = arith.constant 0 : index
      %swap3A_17 = tpu.vector_load %arg8[%swap3A] {strides = array<i32>} : memref<16xi32, #tpu.memory_space<vmem>>, vector<16xi32>,
      tpu.vector_store %arg8[%swap3A], %scan3A_15 {strides = array<i32>} : memref<16xi32, #tpu.memory_space<vmem>>, vector<16xi32>,
      %mul3A_18 = arith.constant 64 : i32
      %mul3A_19 = arith.muli %add3A, %mul3A_18 : i32
      "tpu.region"() ({
        %run_scoped3A = tpu.sem_alloc : memref<!tpu.dma_semaphore, #tpu.memory_space<semaphore_mem>>
        %dma_start3A = arith.constant 0 : i32
        %dma_start3A_22 = tpu.memref_slice %arg6[%dma_start3A] : memref<96xi32, #tpu.memory_space<vmem>> -> memref<64xi32, #tpu.memory_space<vmem>>
        %dma_start3A_23 = tpu.memref_slice %arg3[%mul3A_19] : memref<256xi32, #tpu.memory_space<hbm>> -> memref<64xi32, #tpu.memory_space<hbm>>
        %dma_start3A_24 = tpu.memref_slice %arg3[%mul3A_19] : memref<256xi32, #tpu.memory_space<hbm>> -> memref<64xi32, #tpu.memory_space<hbm>>
        %dma_start3A_25 = arith.constant 0 : i32
        %dma_start3A_26 = tpu.memref_slice %arg6[%dma_start3A_25] : memref<96xi32, #tpu.memory_space<vmem>> -> memref<64xi32, #tpu.memory_space<vmem>>
        tpu.enqueue_dma source(%dma_start3A_26 : memref<64xi32, #tpu.memory_space<vmem>>) target(%dma_start3A_24 : memref<64xi32, #tpu.memory_space<hbm>>) target_semaphore(%run_scoped3A : memref<!tpu.dma_semaphore, #tpu.memory_space<semaphore_mem>>)
        %dma_wait3A = arith.constant 0 : i32
        %dma_wait3A_27 = tpu.memref_slice %arg6[%dma_wait3A] : memref<96xi32, #tpu.memory_space<vmem>> -> memref<64xi32, #tpu.memory_space<vmem>>
        %dma_wait3A_28 = tpu.memref_slice %arg3[%mul3A_19] : memref<256xi32, #tpu.memory_space<hbm>> -> memref<64xi32, #tpu.memory_space<hbm>>
        %dma_wait3A_29 = tpu.memref_slice %arg3[%mul3A_19] : memref<256xi32, #tpu.memory_space<hbm>> -> memref<64xi32, #tpu.memory_space<hbm>>
        %dma_wait3A_30 = arith.constant 0 : i32
        %dma_wait3A_31 = tpu.memref_slice %arg6[%dma_wait3A_30] : memref<96xi32, #tpu.memory_space<vmem>> -> memref<64xi32, #tpu.memory_space<vmem>>
        tpu.wait_dma2 semaphore(%run_scoped3A : memref<!tpu.dma_semaphore, #tpu.memory_space<semaphore_mem>>) src(%dma_wait3A_31 : memref<64xi32, #tpu.memory_space<vmem>>) dst(%dma_wait3A_29 : memref<64xi32, #tpu.memory_space<hbm>>)
        tpu.yield
      }) : () -> ()
      %mul3A_20 = arith.constant 16 : i32
      %mul3A_21 = arith.muli %add3A, %mul3A_20 : i32
      "tpu.region"() ({
        %run_scoped3A = tpu.sem_alloc : memref<!tpu.dma_semaphore, #tpu.memory_space<semaphore_mem>>
        %dma_start3A = tpu.memref_slice %arg4[%mul3A_21] : memref<64xi32, #tpu.memory_space<hbm>> -> memref<16xi32, #tpu.memory_space<hbm>>
        %dma_start3A_22 = tpu.memref_slice %arg4[%mul3A_21] : memref<64xi32, #tpu.memory_space<hbm>> -> memref<16xi32, #tpu.memory_space<hbm>>
        tpu.enqueue_dma source(%arg8 : memref<16xi32, #tpu.memory_space<vmem>>) target(%dma_start3A_22 : memref<16xi32, #tpu.memory_space<hbm>>) target_semaphore(%run_scoped3A : memref<!tpu.dma_semaphore, #tpu.memory_space<semaphore_mem>>)
        %dma_wait3A = tpu.memref_slice %arg4[%mul3A_21] : memref<64xi32, #tpu.memory_space<hbm>> -> memref<16xi32, #tpu.memory_space<hbm>>
        %dma_wait3A_23 = tpu.memref_slice %arg4[%mul3A_21] : memref<64xi32, #tpu.memory_space<hbm>> -> memref<16xi32, #tpu.memory_space<hbm>>
        tpu.wait_dma2 semaphore(%run_scoped3A : memref<!tpu.dma_semaphore, #tpu.memory_space<semaphore_mem>>) src(%arg8 : memref<16xi32, #tpu.memory_space<vmem>>) dst(%dma_wait3A_23 : memref<16xi32, #tpu.memory_space<hbm>>)
        tpu.yield
      }) : () -> ()
    } else {
    }
    return
  }
}

module attributes {stable_mosaic.version = 14 : i64} {
  func.func @_proj_kernel(%arg0: i32, %arg1: i32, %arg2: memref<1x512x768xf32, #tpu.memory_space<vmem>>, %arg3: memref<1x512x8xi32, #tpu.memory_space<vmem>>, %arg4: memref<768x16xf32, #tpu.memory_space<vmem>>, %arg5: memref<1x16xf32, #tpu.memory_space<vmem>>, %arg6: memref<1x512x8xi32, #tpu.memory_space<vmem>>, %arg7: memref<1x512x8xf32, #tpu.memory_space<vmem>>, %arg8: memref<1x512x128xf32, #tpu.memory_space<vmem>>) attributes {dimension_semantics = [#tpu.dimension_semantics<parallel>, #tpu.dimension_semantics<parallel>], iteration_bounds = array<i64: 4, 8>, scalar_prefetch = 0 : i64, scratch_operands = 0 : i64, tpu.core_type = #tpu.core_type<tc>, window_params = [{transform_indices = @transform_0, window_bounds = array<i64: 1, 512, 768>}, {transform_indices = @transform_1, window_bounds = array<i64: 1, 512, 8>}, {pipeline_mode = #tpu.pipeline_mode<synchronous>, transform_indices = @transform_2, window_bounds = array<i64: 768, 16>}, {pipeline_mode = #tpu.pipeline_mode<synchronous>, transform_indices = @transform_3, window_bounds = array<i64: 1, 16>}, {transform_indices = @transform_4, window_bounds = array<i64: 1, 512, 8>}, {transform_indices = @transform_5, window_bounds = array<i64: 1, 512, 8>}, {transform_indices = @transform_6, window_bounds = array<i64: 1, 512, 128>}]} {
    %get3A = arith.constant 0 : index
    %get3A_0 = arith.constant 0 : index
    %get3A_1 = arith.constant 0 : index
    %get3A_2 = vector.load %arg2[%get3A, %get3A_0, %get3A_1] : memref<1x512x768xf32, #tpu.memory_space<vmem>>, vector<1x512x768xf32>
    %get3A_3 = vector.shape_cast %get3A_2 : vector<1x512x768xf32> to vector<512x768xf32>
    %get3A_4 = arith.constant 0 : index
    %get3A_5 = arith.constant 0 : index
    %get3A_6 = vector.load %arg4[%get3A_4, %get3A_5] : memref<768x16xf32, #tpu.memory_space<vmem>>, vector<768x16xf32>
    %dot_general3A = arith.constant dense<0.000000e+00> : vector<512x16xf32>
    %dot_general3A_7 = tpu.matmul %get3A_3, %get3A_6, %dot_general3A {dimension_numbers = #tpu.dot_dimension_numbers<[1], [0], [0], [1], [0, 0, 1, 1], [], []>, transpose_lhs_hint = false} : vector<512x768xf32>, vector<768x16xf32>, vector<512x16xf32> -> vector<512x16xf32>
    %get3A_8 = arith.constant 0 : index
    %get3A_9 = arith.constant 0 : index
    %get3A_10 = vector.load %arg5[%get3A_8, %get3A_9] : memref<1x16xf32, #tpu.memory_space<vmem>>, vector<1x16xf32>
    %add3A = vector.broadcast %get3A_10 : vector<1x16xf32> to vector<512x16xf32>
    %add3A_11 = arith.addf %dot_general3A_7, %add3A : vector<512x16xf32>
    %slice3A = vector.extract_strided_slice %add3A_11 {offsets = [0, 0], sizes = [512, 8], strides = [1, 1]} : vector<512x16xf32> to vector<512x8xf32>
    %slice3A_12 = vector.extract_strided_slice %add3A_11 {offsets = [0, 8], sizes = [512, 8], strides = [1, 1]} : vector<512x16xf32> to vector<512x8xf32>
    %gt3A = arith.cmpf ogt, %slice3A_12, %slice3A : vector<512x8xf32>
    %jit3A = arith.constant 1 : i32
    %jit3A_13 = arith.constant 0 : i32
    %broadcast_in_dim3A = vector.broadcast %jit3A : i32 to vector<512x8xi32>
    %broadcast_in_dim3A_14 = vector.broadcast %jit3A_13 : i32 to vector<512x8xi32>
    %select_n3A = arith.select %gt3A, %broadcast_in_dim3A, %broadcast_in_dim3A_14 : vector<512x8xi1>, vector<512x8xi32>
    %swap3A = arith.constant 0 : index
    %swap3A_15 = arith.constant 0 : index
    %swap3A_16 = arith.constant 0 : index
    %swap3A_17 = vector.load %arg6[%swap3A, %swap3A_15, %swap3A_16] : memref<1x512x8xi32, #tpu.memory_space<vmem>>, vector<1x512x8xi32>
    %swap3A_18 = vector.shape_cast %swap3A_17 : vector<1x512x8xi32> to vector<512x8xi32>
    %swap3A_19 = vector.shape_cast %select_n3A : vector<512x8xi32> to vector<1x512x8xi32>
    tpu.vector_store %arg6[%swap3A, %swap3A_15, %swap3A_16], %swap3A_19 {strides = array<i32>} : memref<1x512x8xi32, #tpu.memory_space<vmem>>, vector<1x512x8xi32>,
    %get3A_20 = arith.constant 0 : index
    %get3A_21 = arith.constant 0 : index
    %get3A_22 = arith.constant 0 : index
    %get3A_23 = vector.load %arg3[%get3A_20, %get3A_21, %get3A_22] : memref<1x512x8xi32, #tpu.memory_space<vmem>>, vector<1x512x8xi32>
    %get3A_24 = vector.shape_cast %get3A_23 : vector<1x512x8xi32> to vector<512x8xi32>
    %eq3A = arith.constant 1 : i32
    %eq3A_25 = vector.broadcast %eq3A : i32 to vector<512x8xi32>
    %eq3A_26 = arith.cmpi eq, %get3A_24, %eq3A_25 : vector<512x8xi32>
    %logistic3A = arith.negf %slice3A_12 : vector<512x8xf32>
    %logistic3A_27 = math.exp %logistic3A : vector<512x8xf32>
    %logistic3A_28 = arith.constant 1.000000e+00 : f32
    %logistic3A_29 = vector.broadcast %logistic3A_28 : f32 to vector<512x8xf32>
    %logistic3A_30 = arith.addf %logistic3A_29, %logistic3A_27 : vector<512x8xf32>
    %logistic3A_31 = arith.divf %logistic3A_29, %logistic3A_30 : vector<512x8xf32>
    %jit3A_32 = arith.constant 2.000000e+00 : f32
    %broadcast_in_dim3A_33 = vector.broadcast %jit3A_32 : f32 to vector<512x8xf32>
    %select_n3A_34 = arith.select %eq3A_26, %broadcast_in_dim3A_33, %logistic3A_31 : vector<512x8xi1>, vector<512x8xf32>
    %swap3A_35 = arith.constant 0 : index
    %swap3A_36 = arith.constant 0 : index
    %swap3A_37 = arith.constant 0 : index
    %swap3A_38 = vector.load %arg7[%swap3A_35, %swap3A_36, %swap3A_37] : memref<1x512x8xf32, #tpu.memory_space<vmem>>, vector<1x512x8xf32>
    %swap3A_39 = vector.shape_cast %swap3A_38 : vector<1x512x8xf32> to vector<512x8xf32>
    %swap3A_40 = vector.shape_cast %select_n3A_34 : vector<512x8xf32> to vector<1x512x8xf32>
    tpu.vector_store %arg7[%swap3A_35, %swap3A_36, %swap3A_37], %swap3A_40 {strides = array<i32>} : memref<1x512x8xf32, #tpu.memory_space<vmem>>, vector<1x512x8xf32>,
    %broadcast_in_dim3A_41 = arith.constant 0.000000e+00 : f32
    %broadcast_in_dim3A_42 = vector.broadcast %broadcast_in_dim3A_41 : f32 to vector<512x112xf32>
    %concatenate3A = tpu.concatenate %add3A_11, %broadcast_in_dim3A_42 in 1 : vector<512x16xf32>, vector<512x112xf32> -> vector<512x128xf32>
    %swap3A_43 = arith.constant 0 : index
    %swap3A_44 = arith.constant 0 : index
    %swap3A_45 = arith.constant 0 : index
    %swap3A_46 = vector.load %arg8[%swap3A_43, %swap3A_44, %swap3A_45] : memref<1x512x128xf32, #tpu.memory_space<vmem>>, vector<1x512x128xf32>
    %swap3A_47 = vector.shape_cast %swap3A_46 : vector<1x512x128xf32> to vector<512x128xf32>
    %swap3A_48 = vector.shape_cast %concatenate3A : vector<512x128xf32> to vector<1x512x128xf32>
    tpu.vector_store %arg8[%swap3A_43, %swap3A_44, %swap3A_45], %swap3A_48 {strides = array<i32>} : memref<1x512x128xf32, #tpu.memory_space<vmem>>, vector<1x512x128xf32>,
    return
  }
  func.func @transform_0(%arg0: i32, %arg1: i32) -> (i32, i32, i32) {
    %c0_i32 = arith.constant 0 : i32
    %c0_i32_0 = arith.constant 0 : i32
    return %arg0, %arg1, %c0_i32 : i32, i32, i32
  }
  func.func @transform_1(%arg0: i32, %arg1: i32) -> (i32, i32, i32) {
    %c0_i32 = arith.constant 0 : i32
    %c0_i32_0 = arith.constant 0 : i32
    return %arg0, %arg1, %c0_i32 : i32, i32, i32
  }
  func.func @transform_2(%arg0: i32, %arg1: i32) -> (i32, i32) {
    %c0_i32 = arith.constant 0 : i32
    %c0_i32_0 = arith.constant 0 : i32
    %c0_i32_1 = arith.constant 0 : i32
    return %c0_i32, %c0_i32_0 : i32, i32
  }
  func.func @transform_3(%arg0: i32, %arg1: i32) -> (i32, i32) {
    %c0_i32 = arith.constant 0 : i32
    %c0_i32_0 = arith.constant 0 : i32
    %c0_i32_1 = arith.constant 0 : i32
    return %c0_i32, %c0_i32_0 : i32, i32
  }
  func.func @transform_4(%arg0: i32, %arg1: i32) -> (i32, i32, i32) {
    %c0_i32 = arith.constant 0 : i32
    %c0_i32_0 = arith.constant 0 : i32
    return %arg0, %arg1, %c0_i32 : i32, i32, i32
  }
  func.func @transform_5(%arg0: i32, %arg1: i32) -> (i32, i32, i32) {
    %c0_i32 = arith.constant 0 : i32
    %c0_i32_0 = arith.constant 0 : i32
    return %arg0, %arg1, %c0_i32 : i32, i32, i32
  }
  func.func @transform_6(%arg0: i32, %arg1: i32) -> (i32, i32, i32) {
    %c0_i32 = arith.constant 0 : i32
    %c0_i32_0 = arith.constant 0 : i32
    return %arg0, %arg1, %c0_i32 : i32, i32, i32
  }
}

module attributes {stable_mosaic.version = 14 : i64} {
  func.func @_loss_kernel(%arg0: memref<4x16xf32, #tpu.memory_space<vmem>>, %arg1: memref<1x1xf32, #tpu.memory_space<vmem>>) attributes {dimension_semantics = [], scalar_prefetch = 0 : i64, scratch_operands = 0 : i64, tpu.core_type = #tpu.core_type<tc>} {
    %get3A = arith.constant 0 : index
    %get3A_0 = arith.constant 0 : index
    %get3A_1 = vector.load %arg0[%get3A, %get3A_0] : memref<4x16xf32, #tpu.memory_space<vmem>>, vector<4x16xf32>
    %reduce_sum3A = vector.shape_cast %get3A_1 : vector<4x16xf32> to vector<1x4x16xf32>
    %reduce_sum3A_2 = arith.constant dense<0.000000e+00> : vector<1xf32>
    %reduce_sum3A_3 = vector.multi_reduction <add>, %reduce_sum3A, %reduce_sum3A_2 [1, 2] : vector<1x4x16xf32> to vector<1xf32>
    %reduce_sum3A_4 = vector.shape_cast %reduce_sum3A_3 : vector<1xf32> to vector<1x1x1xf32>
    %reduce_sum3A_5 = vector.extract %reduce_sum3A_4[0, 0, 0] : f32 from vector<1x1x1xf32>
    %mul3A = arith.constant 3.906250e-03 : f32
    %mul3A_6 = arith.mulf %reduce_sum3A_5, %mul3A : f32
    %broadcast_in_dim3A = vector.broadcast %mul3A_6 : f32 to vector<1x1xf32>
    %swap3A = arith.constant 0 : index
    %swap3A_7 = arith.constant 0 : index
    %swap3A_8 = vector.load %arg1[%swap3A, %swap3A_7] : memref<1x1xf32, #tpu.memory_space<vmem>>, vector<1x1xf32>
    tpu.vector_store %arg1[%swap3A, %swap3A_7], %broadcast_in_dim3A {strides = array<i32>} : memref<1x1xf32, #tpu.memory_space<vmem>>, vector<1x1xf32>,
    return
  }
}

</mosaic_0001>

<sc_bundles>
// kernel: kernel.6.cloned.1.call-start
scs
__scs_entry_jumppad:
0x0: {  	(pc) =	sbr.rel $0x88, $3  }
0x1: {  	(tag) =	ssettag $0x0;
	lr =	simm.s32 $0x1  }
0x2: {  	[smem:$0x3F9D] =	sst lr;
	_ =	strace $0xD0000000  }
0x3: {  	_ = 	snop  }
0x4: {  	_ = 	snop  }
0x5: {  	_ = 	snop  }
0x6: {  	_ = 	snop  }
0x7: {  	_ = 	snop  }
__scs_overlays_trampoline_lowered:
0x8: {  	[smem:$0x3FAC] =	sst s0  }
0x9: {  	[smem:$0x3FAD] =	sst s1  }
0xa: {  	[smem:$0x3FAE] =	sst s2  }
0xb: {  	[smem:$0x3FAF] =	sst s3  }
0xc: {  	[smem:$0x3FB0] =	sst s4  }
0xd: {  	[smem:$0x3FB1] =	sst s5  }
0xe: {  	[smem:$0x3FB2] =	sst s6  }
0xf: {  	[smem:$0x3FB3] =	sst s7  }
0x10: {  	[smem:$0x3FB4] =	sst s8  }
0x11: {  	[smem:$0x3FB5] =	sst s9;
	s0 =	simm.s32 @!p0 $0x0  }
0x12: {  	s1 =	sld [smem:$0x3F9B];
	s0 =	simm.s32 @p0 $0x1  }
0x13: {  	[smem:$0x3FB6] =	sst s0;
	s0 =	simm.s32 @!p1 $0x0  }
0x14: {  	s2 =	sld [smem:$0x3F9A];
	s0 =	simm.s32 @p1 $0x1  }
0x15: {  	[smem:$0x3FB7] =	sst s0;
	s0 =	simm.s32 @!p2 $0x0  }
0x16: {  	s3 =	sld [smem:$0x3FDB];
	s0 =	simm.s32 @p2 $0x1  }
0x17: {  	s4 =	simm.s32 $0x1BF5;
	[smem:$0x3FB9] =	sst s0  }
0x18: {  	s0 =	sld [smem:$0x3F9C];
	_ =	swait.ge [sflag:s4], $0x0  }
0x19: {  	s7 =	sld [smem:$0x3F9D]  }
0x1a: {  	s8 =	sadd.s32 $0xFFFFE003, lr  }
0x1b: {  	s9 =	sadd.s32 $0xFFFFFEF7, lr;
	s5 =	simm.s32 $0xFFFFFFFF;
	p2 =	slt.u32 s8, $0xFFFFF086  }
0x1c: {  	p1 =	slt.u32 s9, $0xF7A;
	s5 =	simm.s32 @!p2 $0x0  }
0x1d: {  	s5 =	simm.s32 @p1 $0x1;
	p0 =	seq.s32 s7, s2  }
0x1e: {  	s7 =	smul.u32 @!p0 $0xF7A, s2;
	p2 =	seq.s32 @!p0 s5, $0x0  }
0x1f: {  	s9 =	smul.u32 $0xF7A, s1;
	s8 =	simm.s32 @!p0 $0x1BF5;
	p2 =	por !p2, p0  }
0x20: {  	[sflag:s8] =	ssyncset.s32 @!p0 $0xFFFFF086;
	s6 =	sadd.s32 @!p0 s3, s7;
	s7 =	simm.s32 @!p0 $0x108  }
0x21: {  	s3 =	sadd.s32 s3, s9;
	s6 =	sadd.s32 @!p0 $0x88, s6;
	s7 =	simm.s32 @p2 $0x1082  }
0x22: {  	[simem:s7], [sflag:s8] =	dma.local @!p0 [hbm:s6], $0xF7A  }
0x23: {  	s9 =	sor.u32 $0xD0000000, s2;
	s6 =	simm.s32 $0x108;
	_ =	swait.ge @!p0 [sflag:s8], $0x0  }
0x24: {  	s3 =	sadd.s32 $0x88, s3;
	s6 =	simm.s32 @!p1 $0x1082;
	[sflag:s4] =	ssyncset.s32 $0xFFFFF086  }
0x25: {  	[simem:s6], [sflag:s4] =	dma.local [hbm:s3], $0xF7A  }
0x26: {  	[smem:$0x3F9D] =	sst s1;
	(tag) =	ssettag s2;
	_ =	strace s9  }
0x27: {  	s1 =	sld [smem:$0x3FAD]  }
0x28: {  	s2 =	sld [smem:$0x3FAE]  }
0x29: {  	s4 =	sld [smem:$0x3FB0]  }
0x2a: {  	p0 =	seq.s32 s5, $0x0;
	s5 =	sld [smem:$0x3FB1]  }
0x2b: {  	s6 =	sld [smem:$0x3FB2]  }
0x2c: {  	s7 =	sld [smem:$0x3FB3]  }
0x2d: {  	s3 =	simm.s32 $0x108;
	s8 =	sld [smem:$0x3FB4]  }
0x2e: {  	s3 =	simm.s32 @!p0 $0x1082;
	s9 =	sld [smem:$0x3FB5]  }
0x2f: {  	lr =	sadd.s32 s0, s3;
	s0 =	sld [smem:$0x3FAC]  }
0x30: {  	s3 =	sld [smem:$0x3FAF]  }
0x31: {  	[smem:$0x3FB8] =	sst s10  }
0x32: {  	s10 =	sld [smem:$0x3FB6];
	_ =	sdelay $0x3  }
0x33: {  	p0 =	seq.s32 s10, $0x1;
	s10 =	sld [smem:$0x3FB8];
	_ =	sdelay $0x3  }
0x34: {  	[smem:$0x3FB8] =	sst s10  }
0x35: {  	s10 =	sld [smem:$0x3FB7];
	_ =	sdelay $0x3  }
0x36: {  	p1 =	seq.s32 s10, $0x1;
	s10 =	sld [smem:$0x3FB8];
	_ =	sdelay $0x3  }
0x37: {  	[smem:$0x3FB8] =	sst s10  }
0x38: {  	s10 =	sld [smem:$0x3FB9]  }
0x39: {  	_ = 	snop;
	(pc) =	sbr.ind lr, $3  }
0x3a: {  	_ = 	snop  }
0x3b: {  	_ = 	snop  }
0x3c: {  	p2 =	seq.s32 s10, $0x1;
	s10 =	sld [smem:$0x3FB8]  }
0x3d: {  	_ =	shalt  }
0x3e: {  	_ =	shalt  }
0x3f: {  	_ =	shalt  }
0x40: {  	_ =	shalt  }
0x41: {  	_ =	shalt  }
0x42: {  	_ =	shalt  }
0x43: {  	_ =	shalt  }
0x44: {  	_ =	shalt  }
0x45: {  	_ =	shalt  }
0x46: {  	_ =	shalt  }
0x47: {  	_ =	shalt  }
0x48: {  	_ =	shalt  }
0x49: {  	_ =	shalt  }
0x4a: {  	_ =	shalt  }
0x4b: {  	_ =	shalt  }
0x4c: {  	_ =	shalt  }
0x4d: {  	_ =	shalt  }
0x4e: {  	_ =	shalt  }
0x4f: {  	_ =	shalt  }
0x50: {  	_ =	shalt  }
0x51: {  	_ =	shalt  }
0x52: {  	_ =	shalt  }
0x53: {  	_ =	shalt  }
0x54: {  	_ =	shalt  }
0x55: {  	_ =	shalt  }
0x56: {  	_ =	shalt  }
0x57: {  	_ =	shalt  }
0x58: {  	_ =	shalt  }
0x59: {  	_ =	shalt  }
0x5a: {  	_ =	shalt  }
0x5b: {  	_ =	shalt  }
0x5c: {  	_ =	shalt  }
0x5d: {  	_ =	shalt  }
0x5e: {  	_ =	shalt  }
0x5f: {  	_ =	shalt  }
0x60: {  	_ =	shalt  }
0x61: {  	_ =	shalt  }
0x62: {  	_ =	shalt  }
0x63: {  	_ =	shalt  }
0x64: {  	_ =	shalt  }
0x65: {  	_ =	shalt  }
0x66: {  	_ =	shalt  }
0x67: {  	_ =	shalt  }
0x68: {  	_ =	shalt  }
0x69: {  	_ =	shalt  }
0x6a: {  	_ =	shalt  }
0x6b: {  	_ =	shalt  }
0x6c: {  	_ =	shalt  }
0x6d: {  	_ =	shalt  }
0x6e: {  	_ =	shalt  }
0x6f: {  	_ =	shalt  }
0x70: {  	_ =	shalt  }
0x71: {  	_ =	shalt  }
0x72: {  	_ =	shalt  }
0x73: {  	_ =	shalt  }
0x74: {  	_ =	shalt  }
0x75: {  	_ =	shalt  }
0x76: {  	_ =	shalt  }
0x77: {  	_ =	shalt  }
0x78: {  	_ =	shalt  }
0x79: {  	_ =	shalt  }
0x7a: {  	_ =	shalt  }
0x7b: {  	_ =	shalt  }
0x7c: {  	_ =	shalt  }
0x7d: {  	_ =	shalt  }
0x7e: {  	_ =	shalt  }
0x7f: {  	_ =	shalt  }
0x80: {  	_ =	shalt  }
0x81: {  	_ =	shalt  }
0x82: {  	_ =	shalt  }
0x83: {  	_ =	shalt  }
0x84: {  	_ =	shalt  }
0x85: {  	_ =	shalt  }
0x86: {  	_ =	shalt  }
0x87: {  	_ =	shalt  }
.Lfunc_end0:
.L_simem_size_0:
called_computation_lowered:
.L_overlay_start_0:
0x88: {  	s2 =	sld [smem:$0x3FD9]  }
0x89: {  	s3 =	sld [smem:$0x3FFE];
	_ =	sdelay $0x1  }
0x8a: {  	s1 =	srdreg.scid  }
0x8b: {  	s0 =	sand.u32 $0x1, s1  }
0x8c: {  	s14 =	sshll.u32 s0, $0xA;
	s2 =	sadd.s32 s3, s2  }
0x8d: {  	s2 =	sadd.s32 s2, s14  }
0x8e: {  	[smem:$0x3FC4] =	sst s2  }
0x8f: {  	_ = 	snop  }
0x90: {  	s2 =	sld [smem:$0x3FD0];
	_ =	sdelay $0x2  }
0x91: {  	s15 =	simm.s32 $0xA;
	s4 =	simm.s32 $0x10  }
0x92: {  	[smem:s4], [sflag:s15] =	dma.local [hbm:s2], $0x1  }
0x93: {  	_ =	swait.eq [sflag:s15], $0x1  }
0x94: {  	[sflag:s15] =	ssyncset.done $0x0  }
0x95: {  	[sflag:s15] =	ssyncadd.s32 $0xFFFFFFFF  }
0x96: {  	s16 =	sld [smem:$0x11];
	(tm) =	ssettm $0x1  }
0x97: {  	s17 =	sld [smem:$0x3FFB];
	_ =	sdelay $0x3  }
0x98: {  	_ =	strace s17  }
0x99: {  	s3 =	sld [smem:$0x3FFC];
	_ =	sdelay $0x3  }
0x9a: {  	_ =	strace s3  }
0x9b: {  	s3 =	sld [smem:$0x3FFD];
	_ =	sdelay $0x3  }
0x9c: {  	_ =	strace s3  }
0x9d: {  	_ =	strace $0x8FFFFFFF  }
0x9e: {  	s18 =	sld [smem:$0x3FDB];
	_ =	sdelay $0x1  }
0x9f: {  	s19 =	simm.s32 $_scs_section_size  }
0xa0: {  	s5 =	simm.s32 $_size__tile_overlayer_lowered;
	s6 =	simm.s32 $_tile_overlayer_lowered  }
0xa1: {  	s22 =	simm.s32 $0x1BFF;
	s21 =	sshll.u32 s6, $0x1;
	s3 =	sadd.s32 s19, s18  }
0xa2: {  	s7 =	simm.s32 $0x0;
	s20 =	sshll.u32 s5, $0x1;
	s5 =	sadd.s32 s21, s3  }
0xa3: {  	[timem:s7], [sflag:s22] =	dma.local [hbm:s5], s20  }
0xa4: {  	_ =	swait.ge [sflag:s22], s20  }
0xa5: {  	s4 =	ssub.s32 $0x0, s20;
	[sflag:s22] =	ssyncset.done $0x0  }
0xa6: {  	[sflag:s22] =	ssyncadd.s32 s4;
	_ =	sdelay $0x1  }
0xa7: {  	s23 =	simm.s32 $0x1B8B  }
0xa8: {  	_ =	swait.ge [sflag:s23], $0x1  }
0xa9: {  	[sflag:s23] =	ssyncset.done $0x0  }
0xaa: {  	s25 =	simm.s32 $0x1B8E;
	s24 =	sld [smem:$0x3FFE];
	[sflag:s23] =	ssyncadd.s32 $0xFFFFFFFF  }
0xab: {  	s26 =	simm.s32 $execute0_lowered;
	[smem:$0x3FD2] =	sst s25  }
0xac: {  	s5 =	sshll.u32 s26, $0x1;
	_ =	strace $0x80000046;
	[dreg:$0x1] =	wrdreg $0xFFFFFFFF  }
0xad: {  	s28 =	simm.s32 $_size_execute0_lowered;
	s3 =	sadd.s32 s3, s5;
	[dreg:$0x0] =	wrdreg $0x0  }
0xae: {  	s5 =	sshll.u32 s28, $0x1;
	[dreg:$0x2] =	wrdreg s3  }
0xaf: {  	[dreg:$0x3] =	wrdreg s5  }
0xb0: {  	[dreg:$0x4] =	wrdreg $0xC0  }
0xb1: {  	_ =	task [dreg:s7], $0x5FFFF  }
0xb2: {  	[dreg:$0x1] =	wrdreg $0xFFFFFFFF  }
0xb3: {  	[dreg:$0x0] =	wrdreg $0x60  }
0xb4: {  	[dreg:$0x2] =	wrdreg s16  }
0xb5: {  	[dreg:$0x3] =	wrdreg s24  }
0xb6: {  	[dreg:$0x4] =	wrdreg $0x9  }
0xb7: {  	_ =	task.clear_ibuf [dreg:s7], $0x5FFFF;
	_ =	strace $0x90000046  }
0xb8: {  	s29 =	simm.s32 $0x9;
	_ =	strace $0x80000048  }
0xb9: {  	_ =	swait.ge [sflag:s29], $0x1  }
0xba: {  	[sflag:s29] =	ssyncadd.s32 $0xFFFFFFFF  }
0xbb: {  	_ =	strace $0x90000048  }
0xbc: {  	_ =	sfence  }
0xbd: {  	s30 =	sld [smem:$0x0];
	_ =	sdelay $0x2  }
0xbe: {  	s31 =	sshll.u32 s1, $0xD;
	s1 =	sshrl.u32 s1, $0x2  }
0xbf: {  	s3 =	sand.u32 $0x4000, s31;
	s1 =	sadd.s32 s1, s30  }
0xc0: {  	s0 =	sor.u32 s3, s0;
	s1 =	sshll.u32 s1, $0x11  }
0xc1: {  	s0 =	sor.u32 s1, s0  }
0xc2: {  	s0 =	sadd.s32 $0x8F2B, s0  }
0xc3: {  	[sflag:s0] =	ssyncadd.remote.s32 $0x1  }
0xc4: {  	_ =	sfence.sel $0xFFFF  }
0xc5: {  	[dreg:$0x0] =	wrdreg $0xFFFFFFFF;
	(pc) =	sbr.abs _section_cstart, $3  }
0xc6: {  	[dreg:$0x1] =	wrdreg $0xFFFFFFFF  }
0xc7: {  	_ =	task.clear_ibuf [dreg:s7], $0x2FFFF;
	_ =	strace $0x9FFFFFFF  }
0xc8: {  	(tm) =	ssettm $0x7FFFFFFF  }
0xc9: {  	_ =	shalt  }
tec
execute0_lowered:
.L_overlay_start_1:
0x0: {  	(tag) =	ssettag $0x1  }
0x1: {  	s1 =	stileid.u32  }
0x2: {  	p0 =	sgt.u32 s1, $0x1  }
.Ltmp0:
0x3: {  	_ = 	snop;
	(pc) =	sbr.rel @p0 .LBB2_5-.Ltmp0, $4  }
0x4: {  	s5 =	rddreg [dreg:$0x0]  }
0x5: {  	s3 =	rddreg [dreg:$0x1];
	s2 =	simm.s32 $0x0  }
0x6: {  	[smem:$0x7FF] =	sst s2  }
0x7: {  	s0 =	rddreg [dreg:$0x2];
	_ =	strace $0x80000047  }
0x8: {  	v0 =	vimm.s32 $0x65432100;
	v1 =	vimm.s32 $0xEDCBA987  }
0x9: {  	v2 =	vimm.s32 $0x54321000;
	v3 =	vimm.s32 $0xDCBA9876;
	v4 =	vimm.s32 $0xBA987654  }
0xa: {  	v5 =	vimm.s32 $0x32100000;
	v6 =	vimm.s32 $0xE40000;
	v0 =	vunpack.c.l.s4.s8 v0  }
0xb: {  	v1 =	vunpack.c.l.s4.s8 v1;
	v2 =	vunpack.c.l.s4.s8 v2;
	v3 =	vunpack.c.l.s4.s8 v3  }
0xc: {  	s4 =	srdreg.scid;
	v4 =	vunpack.c.l.s4.s8 v4;
	v5 =	vunpack.c.l.s4.s8 v5;
	v6 =	vunpack.c.l.s2.s4 v6  }
0xd: {  	s4 =	sand.u32 $0x1, s4;
	v0 =	vunpack.c.0.s8.s32 v0;
	v1 =	vunpack.c.0.s8.s32 v1;
	v3 =	vunpack.c.0.s8.s32 v3  }
0xe: {  	s6 =	sshll.u32 s4, $0x1;
	v2 =	vunpack.c.0.s8.s32 v2;
	v4 =	vunpack.c.0.s8.s32 v4;
	v5 =	vunpack.c.0.s8.s32 v5  }
0xf: {  	s10 =	simm.s32 $0x8100;
	s9 =	ssub.s32 $0x2, s4;
	s6 =	sadd.s32 s1, s6;
	v6 =	vunpack.c.l.s4.s8 v6;
	v1 =	vand.u32 $0xF, v1;
	v3 =	vand.u32 $0xF, v3  }
0x10: {  	s11 =	simm.s32 $0x0;
	s31 =	sshrl.u32 s9, $0x1;
	s7 =	sshll.u32 s6, $0x3;
	v0 =	vcombine.low v0, v1;
	v1 =	vcombine.low v2, v3;
	v2 =	vand.u32 $0xF, v4  }
0x11: {  	s8 =	sshll.u32 s6, $0x1;
	s6 =	sshll.u32 s6, $0xC;
	s7 =	sadd.s32 s7, s3;
	v4 =	vimm.s32 $0x7060504;
	v2 =	vcombine.low v5, v2;
	v5 =	vunpack.c.0.s8.s32 v6  }
0x12: {  	vm0 =	vmmov $0x3;
	vm1 =	vmmov $0xf;
	s8 =	sadd.s32 s8, s3;
	s5 =	sadd.s32 s5, s6;
	s3 =	sadd.s32 $0x41800, s7;
	v4 =	vunpack.c.0.s8.s32 v4  }
0x13: {  	vm2 =	vcmask $0x3F30;
	s4 =	sadd.s32 $0x41A00, s8;
	s7 =	ssub.s32 s9, s31;
	v3 =	vlaneseq.u32;
	s8 =	simm.s32 $0x8080;
	v5 =	vand.u32 $0x3, v5  }
0x14: {  	s9 =	simm.s32 $0x8000;
	s6 =	smax.u32 s7, $0x1;
	s7 =	simm.s32 $0x1;
	v4 =	vsel vm2, v4, v5;
	vm2 =	vmmov $0xff;
	v5 =	vimm.s32 $0xF  }
.LBB2_2:
0x15: {  	s12 =	simm.s32 $0x0  }
0x16: {  	[tilespmem:s12], [sflag:$0x1] =	stream.linear.gather [hbm4b:s5+s12], $0x8000, $0x38;
	[tilespmem:$0x8180] =	vst v63  }
0x17: {  	_ =	swait.ge [sflag:s7], $0x8000  }
0x18: {  	[sflag:s7] =	ssyncset.done $0x0  }
0x19: {  	[sflag:s7] =	ssyncadd.s32 $0xFFFF8000  }
0x1a: {  	v6 =	vld [tilespmem:s12+$0x0];
	_ =	sdelay $0x4  }
0x1b: {  	[tilespmem:$0x8080] =	vst v6  }
0x1c: {  	v7 =	vld.idx.msk [tilespmem:v0+s8+$0x0], $0xffff;
	_ =	sdelay $0x3  }
0x1d: {  	vm3 =	veq.s32 v3, $0x0  }
0x1e: {  	v7 =	vsel vm3, $0x0, v7  }
0x1f: {  	v7 =	vadd.s32 v6, v7  }
0x20: {  	[tilespmem:$0x8080] =	vst v7  }
0x21: {  	v8 =	vld.idx.msk [tilespmem:v1+s8+$0x0], $0xffff;
	_ =	sdelay $0x4  }
0x22: {  	v8 =	vsel vm0, $0x0, v8  }
0x23: {  	v7 =	vadd.s32 v7, v8  }
0x24: {  	[tilespmem:$0x8080] =	vst v7  }
0x25: {  	v8 =	vld.idx.msk [tilespmem:v2+s8+$0x0], $0xffff;
	_ =	sdelay $0x4  }
0x26: {  	v8 =	vsel vm1, $0x0, v8  }
0x27: {  	v7 =	vadd.s32 v7, v8  }
0x28: {  	[tilespmem:$0x8080] =	vst v7  }
0x29: {  	v8 =	vld.idx.msk [tilespmem:v4+s8+$0x0], $0xffff;
	_ =	sdelay $0x4  }
0x2a: {  	v8 =	vsel vm2, $0x0, v8  }
0x2b: {  	v7 =	vadd.s32 v7, v8;
	v8 =	vimm.s32 $0x0  }
0x2c: {  	[tilespmem:$0x8080] =	vst v7;
	v7 =	vadd.s32 v7, v8  }
0x2d: {  	v7 =	vadd.s32 $0xFFFFFFFF, v7  }
0x2e: {  	vm4 =	veq.s32 v6, $0x1;
	v9 =	vld.idx.msk [tilespmem:v5+s8+$0x0], $0xffff;
	vm5 =	vlt.s32 v7, $0x40  }
0x2f: {  	vm4 =	vmand vm4, vm5  }
0x30: {  	v7 =	vnsel vm4, $0x50, v7;
	_ =	sdelay $0x2  }
0x31: {  	s13 =	simm.s32 $0x10;
	v6 =	vadd.s32 v8, v9;
	v8 =	vor.u32 s12, v3  }
.LBB2_3:
0x32: {  	p0 =	sne.s32 s13, $0x7FF0  }
0x33: {  	[tilespmem:v7+s9+$0x0] =	vst.idx.msk $0xffff, v8;
	s12 =	sadd.s32 $0x10, s12;
	s14 =	smov.u32 s13;
	s13 =	sadd.s32 $0x10, s13  }
0x34: {  	v7 =	vld [tilespmem:s12+$0x0];
	_ =	sdelay $0x4  }
0x35: {  	[tilespmem:$0x8080] =	vst v7  }
0x36: {  	v8 =	vld.idx.msk [tilespmem:v0+s8+$0x0], $0xffff;
	_ =	sdelay $0x5  }
0x37: {  	v8 =	vsel vm3, $0x0, v8  }
0x38: {  	v8 =	vadd.s32 v7, v8  }
0x39: {  	[tilespmem:$0x8080] =	vst v8  }
0x3a: {  	v9 =	vld.idx.msk [tilespmem:v1+s8+$0x0], $0xffff;
	_ =	sdelay $0x5  }
0x3b: {  	v9 =	vsel vm0, $0x0, v9  }
0x3c: {  	v8 =	vadd.s32 v8, v9  }
0x3d: {  	[tilespmem:$0x8080] =	vst v8  }
0x3e: {  	v9 =	vld.idx.msk [tilespmem:v2+s8+$0x0], $0xffff;
	_ =	sdelay $0x5  }
0x3f: {  	v9 =	vsel vm1, $0x0, v9  }
0x40: {  	v8 =	vadd.s32 v8, v9  }
0x41: {  	[tilespmem:$0x8080] =	vst v8  }
0x42: {  	v9 =	vld.idx.msk [tilespmem:v4+s8+$0x0], $0xffff;
	_ =	sdelay $0x5  }
0x43: {  	v9 =	vsel vm2, $0x0, v9  }
0x44: {  	v8 =	vadd.s32 v8, v9  }
0x45: {  	[tilespmem:$0x8080] =	vst v8;
	v8 =	vadd.s32 v8, v6  }
0x46: {  	v9 =	vld.idx.msk [tilespmem:v5+s8+$0x0], $0xffff;
	v8 =	vadd.s32 $0xFFFFFFFF, v8  }
0x47: {  	vm4 =	veq.s32 v7, $0x1;
	vm5 =	vlt.s32 v8, $0x40  }
0x48: {  	vm4 =	vmand vm4, vm5  }
.Ltmp1:
0x49: {  	v7 =	vnsel vm4, $0x50, v8;
	(pc) =	sbr.rel @p0 .LBB2_3-.Ltmp1, $3  }
0x4a: {  	_ =	sdelay $0x1  }
0x4b: {  	v6 =	vadd.s32 v6, v9  }
0x4c: {  	v8 =	vor.u32 s14, v3  }
0x4d: {  	_ =	sdelay $0x3  }
0x4e: {  	[tilespmem:v7+s9+$0x0] =	vst.idx.msk $0xffff, v8  }
0x4f: {  	[tilespmem:$0x8100] =	vst v6  }
0x50: {  	[hbm4b:s3+s2] =	stream.linear.scatter [tilespmem:s9], [sflag:$0x1], $0x40, $0x38;
	[tilespmem:$0x8180] =	vst v63  }
0x51: {  	s11 =	sadd.s32 $0x1, s11;
	_ =	swait.ge [sflag:s7], $0x40  }
0x52: {  	p0 =	sne.s32 s11, s6;
	[sflag:s7] =	ssyncset.done $0x0  }
.Ltmp2:
0x53: {  	[sflag:s7] =	ssyncadd.s32 $0xFFFFFFC0;
	(pc) =	sbr.rel @p0 .LBB2_2-.Ltmp2, $4  }
0x54: {  	[hbm4b:s4+s2] =	stream.linear.scatter [tilespmem:s10], [sflag:$0x1], $0x10, $0x38;
	[tilespmem:$0x8180] =	vst v63  }
0x55: {  	_ =	swait.ge [sflag:s7], $0x10  }
0x56: {  	[sflag:s7] =	ssyncset.done $0x0  }
0x57: {  	[sflag:s7] =	ssyncadd.s32 $0xFFFFFFF0  }
.LBB2_5:
0x58: {  	_ =	sfence.sel $0x180000  }
0x59: {  	[bflag:$0x0] =	sbarrier.arrive $0xFFFF  }
0x5a: {  	p0 =	sne.s32 s1, $0x0;
	_ =	strace $0x90000047  }
0x5b: {  	s0 =	sadd.s32 @!p0 $0x100000, s0;
	[bflag:$0x2] =	sbarrier.arrive $0xFFFF  }
0x5c: {  	[sflag:s0] =	ssyncadd.tile.s32 @!p0 $0x1;
	_ =	shalt  }
.Lfunc_end2:
_tile_overlayer_lowered:
.L_overlay_start_2:
0x5d: {  	(tag) =	ssettag $0x2  }
0x5e: {  	s0 =	rddreg [dreg:$0x0];
	s2 =	stileid.u32  }
0x5f: {  	s1 =	rddreg [dreg:$0x1];
	p0 =	sne.s32 s2, $0x0  }
0x60: {  	s3 =	rddreg [dreg:$0x2];
	[bflag:$0x3] =	sbarrier.arrive $0xFFFF;
	s2 =	simm.s32 @!p0 $0x1C01  }
0x61: {  	[timem:s3], [sflag:s2] =	dma.local @!p0 [hbm:s0], s1  }
0x62: {  	s0 =	simm.s32 @!p0 $0x1  }
0x63: {  	_ =	swait.ge @!p0 [sflag:s0], s1  }
0x64: {  	s1 =	ssub.s32 @!p0 $0x0, s1;
	[sflag:s0] =	ssyncset.done @!p0 $0x0  }
0x65: {  	[sflag:s0] =	ssyncadd.s32 @!p0 s1  }
0x66: {  	[bflag:$0x3] =	sbarrier.arrive $0xFFFF  }
0x67: {  	_ =	shalt  }

// kernel: kernel.9.cloned.1.call-start
scs
__scs_entry_jumppad:
0x0: {  	(pc) =	sbr.rel $0x88, $3  }
0x1: {  	(tag) =	ssettag $0x0;
	lr =	simm.s32 $0x1  }
0x2: {  	[smem:$0x3F9D] =	sst lr;
	_ =	strace $0xD0000000  }
0x3: {  	_ = 	snop  }
0x4: {  	_ = 	snop  }
0x5: {  	_ = 	snop  }
0x6: {  	_ = 	snop  }
0x7: {  	_ = 	snop  }
__scs_overlays_trampoline_lowered:
0x8: {  	[smem:$0x3FAC] =	sst s0  }
0x9: {  	[smem:$0x3FAD] =	sst s1  }
0xa: {  	[smem:$0x3FAE] =	sst s2  }
0xb: {  	[smem:$0x3FAF] =	sst s3  }
0xc: {  	[smem:$0x3FB0] =	sst s4  }
0xd: {  	[smem:$0x3FB1] =	sst s5  }
0xe: {  	[smem:$0x3FB2] =	sst s6  }
0xf: {  	[smem:$0x3FB3] =	sst s7  }
0x10: {  	[smem:$0x3FB4] =	sst s8  }
0x11: {  	[smem:$0x3FB5] =	sst s9;
	s0 =	simm.s32 @!p0 $0x0  }
0x12: {  	s1 =	sld [smem:$0x3F9B];
	s0 =	simm.s32 @p0 $0x1  }
0x13: {  	[smem:$0x3FB6] =	sst s0;
	s0 =	simm.s32 @!p1 $0x0  }
0x14: {  	s2 =	sld [smem:$0x3F9A];
	s0 =	simm.s32 @p1 $0x1  }
0x15: {  	[smem:$0x3FB7] =	sst s0;
	s0 =	simm.s32 @!p2 $0x0  }
0x16: {  	s3 =	sld [smem:$0x3FDB];
	s0 =	simm.s32 @p2 $0x1  }
0x17: {  	s4 =	simm.s32 $0x1BF5;
	[smem:$0x3FB9] =	sst s0  }
0x18: {  	s0 =	sld [smem:$0x3F9C];
	_ =	swait.ge [sflag:s4], $0x0  }
0x19: {  	s7 =	sld [smem:$0x3F9D]  }
0x1a: {  	s8 =	sadd.s32 $0xFFFFE003, lr  }
0x1b: {  	s9 =	sadd.s32 $0xFFFFFEF7, lr;
	s5 =	simm.s32 $0xFFFFFFFF;
	p2 =	slt.u32 s8, $0xFFFFF086  }
0x1c: {  	p1 =	slt.u32 s9, $0xF7A;
	s5 =	simm.s32 @!p2 $0x0  }
0x1d: {  	s5 =	simm.s32 @p1 $0x1;
	p0 =	seq.s32 s7, s2  }
0x1e: {  	s7 =	smul.u32 @!p0 $0xF7A, s2;
	p2 =	seq.s32 @!p0 s5, $0x0  }
0x1f: {  	s9 =	smul.u32 $0xF7A, s1;
	s8 =	simm.s32 @!p0 $0x1BF5;
	p2 =	por !p2, p0  }
0x20: {  	[sflag:s8] =	ssyncset.s32 @!p0 $0xFFFFF086;
	s6 =	sadd.s32 @!p0 s3, s7;
	s7 =	simm.s32 @!p0 $0x108  }
0x21: {  	s3 =	sadd.s32 s3, s9;
	s6 =	sadd.s32 @!p0 $0x88, s6;
	s7 =	simm.s32 @p2 $0x1082  }
0x22: {  	[simem:s7], [sflag:s8] =	dma.local @!p0 [hbm:s6], $0xF7A  }
0x23: {  	s9 =	sor.u32 $0xD0000000, s2;
	s6 =	simm.s32 $0x108;
	_ =	swait.ge @!p0 [sflag:s8], $0x0  }
0x24: {  	s3 =	sadd.s32 $0x88, s3;
	s6 =	simm.s32 @!p1 $0x1082;
	[sflag:s4] =	ssyncset.s32 $0xFFFFF086  }
0x25: {  	[simem:s6], [sflag:s4] =	dma.local [hbm:s3], $0xF7A  }
0x26: {  	[smem:$0x3F9D] =	sst s1;
	(tag) =	ssettag s2;
	_ =	strace s9  }
0x27: {  	s1 =	sld [smem:$0x3FAD]  }
0x28: {  	s2 =	sld [smem:$0x3FAE]  }
0x29: {  	s4 =	sld [smem:$0x3FB0]  }
0x2a: {  	p0 =	seq.s32 s5, $0x0;
	s5 =	sld [smem:$0x3FB1]  }
0x2b: {  	s6 =	sld [smem:$0x3FB2]  }
0x2c: {  	s7 =	sld [smem:$0x3FB3]  }
0x2d: {  	s3 =	simm.s32 $0x108;
	s8 =	sld [smem:$0x3FB4]  }
0x2e: {  	s3 =	simm.s32 @!p0 $0x1082;
	s9 =	sld [smem:$0x3FB5]  }
0x2f: {  	lr =	sadd.s32 s0, s3;
	s0 =	sld [smem:$0x3FAC]  }
0x30: {  	s3 =	sld [smem:$0x3FAF]  }
0x31: {  	[smem:$0x3FB8] =	sst s10  }
0x32: {  	s10 =	sld [smem:$0x3FB6];
	_ =	sdelay $0x3  }
0x33: {  	p0 =	seq.s32 s10, $0x1;
	s10 =	sld [smem:$0x3FB8];
	_ =	sdelay $0x3  }
0x34: {  	[smem:$0x3FB8] =	sst s10  }
0x35: {  	s10 =	sld [smem:$0x3FB7];
	_ =	sdelay $0x3  }
0x36: {  	p1 =	seq.s32 s10, $0x1;
	s10 =	sld [smem:$0x3FB8];
	_ =	sdelay $0x3  }
0x37: {  	[smem:$0x3FB8] =	sst s10  }
0x38: {  	s10 =	sld [smem:$0x3FB9]  }
0x39: {  	_ = 	snop;
	(pc) =	sbr.ind lr, $3  }
0x3a: {  	_ = 	snop  }
0x3b: {  	_ = 	snop  }
0x3c: {  	p2 =	seq.s32 s10, $0x1;
	s10 =	sld [smem:$0x3FB8]  }
0x3d: {  	_ =	shalt  }
0x3e: {  	_ =	shalt  }
0x3f: {  	_ =	shalt  }
0x40: {  	_ =	shalt  }
0x41: {  	_ =	shalt  }
0x42: {  	_ =	shalt  }
0x43: {  	_ =	shalt  }
0x44: {  	_ =	shalt  }
0x45: {  	_ =	shalt  }
0x46: {  	_ =	shalt  }
0x47: {  	_ =	shalt  }
0x48: {  	_ =	shalt  }
0x49: {  	_ =	shalt  }
0x4a: {  	_ =	shalt  }
0x4b: {  	_ =	shalt  }
0x4c: {  	_ =	shalt  }
0x4d: {  	_ =	shalt  }
0x4e: {  	_ =	shalt  }
0x4f: {  	_ =	shalt  }
0x50: {  	_ =	shalt  }
0x51: {  	_ =	shalt  }
0x52: {  	_ =	shalt  }
0x53: {  	_ =	shalt  }
0x54: {  	_ =	shalt  }
0x55: {  	_ =	shalt  }
0x56: {  	_ =	shalt  }
0x57: {  	_ =	shalt  }
0x58: {  	_ =	shalt  }
0x59: {  	_ =	shalt  }
0x5a: {  	_ =	shalt  }
0x5b: {  	_ =	shalt  }
0x5c: {  	_ =	shalt  }
0x5d: {  	_ =	shalt  }
0x5e: {  	_ =	shalt  }
0x5f: {  	_ =	shalt  }
0x60: {  	_ =	shalt  }
0x61: {  	_ =	shalt  }
0x62: {  	_ =	shalt  }
0x63: {  	_ =	shalt  }
0x64: {  	_ =	shalt  }
0x65: {  	_ =	shalt  }
0x66: {  	_ =	shalt  }
0x67: {  	_ =	shalt  }
0x68: {  	_ =	shalt  }
0x69: {  	_ =	shalt  }
0x6a: {  	_ =	shalt  }
0x6b: {  	_ =	shalt  }
0x6c: {  	_ =	shalt  }
0x6d: {  	_ =	shalt  }
0x6e: {  	_ =	shalt  }
0x6f: {  	_ =	shalt  }
0x70: {  	_ =	shalt  }
0x71: {  	_ =	shalt  }
0x72: {  	_ =	shalt  }
0x73: {  	_ =	shalt  }
0x74: {  	_ =	shalt  }
0x75: {  	_ =	shalt  }
0x76: {  	_ =	shalt  }
0x77: {  	_ =	shalt  }
0x78: {  	_ =	shalt  }
0x79: {  	_ =	shalt  }
0x7a: {  	_ =	shalt  }
0x7b: {  	_ =	shalt  }
0x7c: {  	_ =	shalt  }
0x7d: {  	_ =	shalt  }
0x7e: {  	_ =	shalt  }
0x7f: {  	_ =	shalt  }
0x80: {  	_ =	shalt  }
0x81: {  	_ =	shalt  }
0x82: {  	_ =	shalt  }
0x83: {  	_ =	shalt  }
0x84: {  	_ =	shalt  }
0x85: {  	_ =	shalt  }
0x86: {  	_ =	shalt  }
0x87: {  	_ =	shalt  }
.Lfunc_end0:
.L_simem_size_0:
called_computation.1_lowered:
.L_overlay_start_0:
0x88: {  	s2 =	sld [smem:$0x3FD9]  }
0x89: {  	s3 =	sld [smem:$0x3FFE];
	_ =	sdelay $0x1  }
0x8a: {  	s1 =	srdreg.scid  }
0x8b: {  	s0 =	sand.u32 $0x1, s1  }
0x8c: {  	s14 =	sshll.u32 s0, $0xA;
	s2 =	sadd.s32 s3, s2  }
0x8d: {  	s2 =	sadd.s32 s2, s14  }
0x8e: {  	[smem:$0x3FC4] =	sst s2  }
0x8f: {  	_ = 	snop  }
0x90: {  	s2 =	sld [smem:$0x3FD0];
	_ =	sdelay $0x2  }
0x91: {  	s15 =	simm.s32 $0xA;
	s4 =	simm.s32 $0x10  }
0x92: {  	[smem:s4], [sflag:s15] =	dma.local [hbm:s2], $0x1  }
0x93: {  	_ =	swait.eq [sflag:s15], $0x1  }
0x94: {  	s16 =	sld [smem:$0x10];
	[sflag:s15] =	ssyncset.done $0x0  }
0x95: {  	s17 =	sld [smem:$0x12];
	[sflag:s15] =	ssyncadd.s32 $0xFFFFFFFF  }
0x96: {  	s18 =	sld [smem:$0x13];
	(tm) =	ssettm $0x1  }
0x97: {  	s5 =	sld [smem:$0x3FFB];
	_ =	sdelay $0x3  }
0x98: {  	_ =	strace s5  }
0x99: {  	s5 =	sld [smem:$0x3FFC];
	_ =	sdelay $0x3  }
0x9a: {  	_ =	strace s5  }
0x9b: {  	s5 =	sld [smem:$0x3FFD];
	_ =	sdelay $0x3  }
0x9c: {  	_ =	strace s5  }
0x9d: {  	_ =	strace $0x8FFFFFFF  }
0x9e: {  	s19 =	sld [smem:$0x3FDB];
	_ =	sdelay $0x1  }
0x9f: {  	s6 =	simm.s32 $_scs_section_size  }
0xa0: {  	s7 =	simm.s32 $_size__tile_overlayer_lowered;
	s8 =	simm.s32 $_tile_overlayer_lowered  }
0xa1: {  	s22 =	simm.s32 $0x1BFF;
	s21 =	sshll.u32 s8, $0x1;
	s5 =	sadd.s32 s6, s19  }
0xa2: {  	s9 =	simm.s32 $0x0;
	s20 =	sshll.u32 s7, $0x1;
	s7 =	sadd.s32 s21, s5  }
0xa3: {  	[timem:s9], [sflag:s22] =	dma.local [hbm:s7], s20  }
0xa4: {  	_ =	swait.ge [sflag:s22], s20  }
0xa5: {  	s6 =	ssub.s32 $0x0, s20;
	[sflag:s22] =	ssyncset.done $0x0  }
0xa6: {  	[sflag:s22] =	ssyncadd.s32 s6;
	_ =	sdelay $0x1  }
0xa7: {  	s23 =	simm.s32 $0x1B8B  }
0xa8: {  	_ =	swait.ge [sflag:s23], $0x1  }
0xa9: {  	[sflag:s23] =	ssyncset.done $0x0  }
0xaa: {  	s25 =	simm.s32 $0x1B8E;
	s24 =	sld [smem:$0x3FFE];
	[sflag:s23] =	ssyncadd.s32 $0xFFFFFFFF  }
0xab: {  	s26 =	simm.s32 $execute0_lowered;
	[smem:$0x3FD2] =	sst s25  }
0xac: {  	s7 =	sshll.u32 s26, $0x1;
	_ =	strace $0x80000049;
	[dreg:$0x1] =	wrdreg $0xFFFFFFFF  }
0xad: {  	s28 =	simm.s32 $_size_execute0_lowered;
	s5 =	sadd.s32 s5, s7;
	[dreg:$0x0] =	wrdreg $0x0  }
0xae: {  	s7 =	sshll.u32 s28, $0x1;
	[dreg:$0x2] =	wrdreg s5  }
0xaf: {  	[dreg:$0x3] =	wrdreg s7  }
0xb0: {  	[dreg:$0x4] =	wrdreg $0xC0  }
0xb1: {  	_ =	task [dreg:s9], $0x5FFFF  }
0xb2: {  	[dreg:$0x1] =	wrdreg $0xFFFFFFFF  }
0xb3: {  	[dreg:$0x0] =	wrdreg $0x60  }
0xb4: {  	[dreg:$0x2] =	wrdreg s24  }
0xb5: {  	[dreg:$0x3] =	wrdreg s17  }
0xb6: {  	[dreg:$0x4] =	wrdreg s18  }
0xb7: {  	[dreg:$0x5] =	wrdreg s16  }
0xb8: {  	[dreg:$0x6] =	wrdreg $0x9  }
0xb9: {  	_ =	task.clear_ibuf [dreg:s9], $0x7FFFF;
	_ =	strace $0x90000049  }
0xba: {  	s29 =	simm.s32 $0x9;
	_ =	strace $0x8000004B  }
0xbb: {  	_ =	swait.ge [sflag:s29], $0x1  }
0xbc: {  	[sflag:s29] =	ssyncadd.s32 $0xFFFFFFFF  }
0xbd: {  	_ =	strace $0x9000004B  }
0xbe: {  	_ =	sfence  }
0xbf: {  	s30 =	sld [smem:$0x0];
	_ =	sdelay $0x2  }
0xc0: {  	s31 =	sshll.u32 s1, $0xD;
	s1 =	sshrl.u32 s1, $0x2  }
0xc1: {  	s3 =	sand.u32 $0x4000, s31;
	s1 =	sadd.s32 s1, s30  }
0xc2: {  	s0 =	sor.u32 s3, s0;
	s1 =	sshll.u32 s1, $0x11  }
0xc3: {  	s0 =	sor.u32 s1, s0  }
0xc4: {  	s0 =	sadd.s32 $0x8F2B, s0  }
0xc5: {  	[sflag:s0] =	ssyncadd.remote.s32 $0x1  }
0xc6: {  	_ =	sfence.sel $0xFFFF  }
0xc7: {  	[dreg:$0x0] =	wrdreg $0xFFFFFFFF;
	(pc) =	sbr.abs _section_cstart, $3  }
0xc8: {  	[dreg:$0x1] =	wrdreg $0xFFFFFFFF  }
0xc9: {  	_ =	task.clear_ibuf [dreg:s9], $0x2FFFF;
	_ =	strace $0x9FFFFFFF  }
0xca: {  	(tm) =	ssettm $0x7FFFFFFF  }
0xcb: {  	_ =	shalt  }
tec
execute0_lowered:
.L_overlay_start_1:
0x0: {  	(tag) =	ssettag $0x1  }
0x1: {  	s0 =	stileid.u32  }
0x2: {  	p0 =	sgt.u32 s0, $0x1  }
.Ltmp0:
0x3: {  	s3 =	rddreg [dreg:$0x0];
	(pc) =	sbr.rel @p0 .LBB2_10-.Ltmp0, $4  }
0x4: {  	s6 =	rddreg [dreg:$0x1]  }
0x5: {  	s9 =	rddreg [dreg:$0x2];
	s2 =	simm.s32 $0x0  }
0x6: {  	[smem:$0x7FF] =	sst s2  }
0x7: {  	s10 =	rddreg [dreg:$0x3];
	_ =	strace $0x8000004A  }
0x8: {  	s4 =	srdreg.scid;
	s0 =	stileid.u32;
	s12 =	sadd.s32 $0x41A00, s3  }
0x9: {  	s18 =	simm.s32 $0x1;
	s19 =	simm.s32 $0x2200;
	s20 =	simm.s32 $0x2280  }
0xa: {  	s21 =	simm.s32 $0x2300;
	s22 =	simm.s32 $0x2380;
	s7 =	sand.u32 $0x1, s4  }
0xb: {  	s23 =	simm.s32 $0x2400;
	s24 =	simm.s32 $0x2480;
	s4 =	sshll.u32 s7, $0x1  }
0xc: {  	s25 =	simm.s32 $0x0;
	s16 =	ssub.s32 $0x2, s7;
	s14 =	sadd.s32 s0, s4  }
0xd: {  	s17 =	sshrl.u32 s16, $0x1;
	s11 =	sshll.u32 s14, $0x3;
	s15 =	sshll.u32 s14, $0xC  }
0xe: {  	s8 =	smul.u32 $0xC0, s14;
	s13 =	sshll.u32 s14, $0x1;
	s16 =	ssub.s32 s16, s17  }
0xf: {  	v0 =	vlaneseq.u32;
	s17 =	simm.s32 $0x200;
	s5 =	sadd.s32 s11, s3;
	s31 =	sadd.s32 s15, s3  }
.Ltmp1:
0x10: {  	v1 =	vmul.u32 $0x80, v0;
	s3 =	sadd.s32 $0x41C00, s3;
	s9 =	sadd.s32 s9, s11;
	(pc) =	sbr.rel .LBB2_2-.Ltmp1, $4  }
0x11: {  	v5 =	vimm.s32 $0x0;
	vm0 =	vmxor vm0, vm0;
	s10 =	sadd.s32 s10, s13;
	s11 =	sadd.s32 s12, s13;
	s12 =	smax.u32 s16, $0x1  }
0x12: {  	v4 =	vor.u32 $0x8, v1;
	v6 =	vor.u32 $0x800, v1;
	s13 =	simm.s32 $0x2;
	v3 =	vmov s15;
	s15 =	simm.s32 $0x40;
	s8 =	sshrl.u32 s8, $0x3  }
0x13: {  	v7 =	vor.u32 $0x808, v1;
	v8 =	vor.u32 $0x1000, v1;
	v9 =	vor.u32 $0x1008, v1;
	s16 =	simm.s32 $0x180;
	s4 =	sadd.s32 $0x1800, s31;
	s6 =	sadd.s32 s6, s8  }
0x14: {  	v10 =	vor.u32 $0x1800, v1;
	v11 =	vor.u32 $0x1808, v1;
	v2 =	vmov s14;
	s5 =	sadd.s32 $0x41800, s5;
	s7 =	sadd.s32 $0x8, s6;
	s8 =	sadd.s32 $0x10, s6  }
.LBB2_3:
0x15: {  	s0 =	simm.s32 $0x80  }
0x16: {  	[tilespmem:s0], [sflag:$0x2] =	stream.linear.gather [hbm4b:s5+s2], $0x40, $0x38;
	[tilespmem:$0xA480] =	vst v63  }
0x17: {  	_ =	swait.ge [sflag:s13], $0x40  }
0x18: {  	v14 =	vimm.s32 $0x1;
	[sflag:s13] =	ssyncset.done $0x0  }
0x19: {  	v15 =	vimm.s32 $0x1;
	v13 =	vimm.s32 $0x1;
	v12 =	vimm.s32 $0x1;
	[sflag:s13] =	ssyncadd.s32 $0xFFFFFFC0  }
.LBB2_9:
0x1a: {  	[tilespmem:$0x100] =	vst v14  }
0x1b: {  	[tilespmem:$0x110] =	vst v15  }
0x1c: {  	v16 =	vld [tilespmem:$0x80];
	[tilespmem:$0x120] =	vst v13  }
0x1d: {  	[tilespmem:$0x130] =	vst v12  }
0x1e: {  	v36 =	vld [tilespmem:$0x90];
	[tilespmem:$0x2200] =	vst v2  }
0x1f: {  	[tilespmem:$0x2210] =	vst v2  }
0x20: {  	v39 =	vld [tilespmem:$0xA0];
	[tilespmem:$0x2220] =	vst v2  }
0x21: {  	[tilespmem:$0x2230] =	vst v2;
	v37 =	vshra.s32 v16, $0x3  }
0x22: {  	v41 =	vld [tilespmem:$0xB0];
	v38 =	vand.u32 $0x7, v16;
	[tilespmem:$0x2280] =	vst v37  }
0x23: {  	v40 =	vshra.s32 v36, $0x3;
	[tilespmem:$0x2300] =	vst v38  }
0x24: {  	v13 =	vand.u32 $0x7, v36;
	[tilespmem:$0x2290] =	vst v40  }
0x25: {  	v42 =	vshra.s32 v39, $0x3;
	[tilespmem:$0x2310] =	vst v13  }
0x26: {  	v14 =	vand.u32 $0x7, v39;
	[tilespmem:$0x22A0] =	vst v42  }
0x27: {  	v43 =	vshra.s32 v41, $0x3;
	[tilespmem:$0x2320] =	vst v14  }
0x28: {  	v12 =	vadd.s32 v3, v37;
	[tilespmem:$0x22B0] =	vst v43  }
0x29: {  	v13 =	vand.u32 $0x7, v41;
	[tilespmem:$0x180] =	vst v12  }
0x2a: {  	v12 =	vadd.s32 v3, v40;
	[tilespmem:$0x2330] =	vst v13  }
0x2b: {  	[tilespmem:$0x190] =	vst v12;
	v12 =	vadd.s32 v3, v42  }
0x2c: {  	[tilespmem:$0x1A0] =	vst v12;
	v12 =	vadd.s32 v3, v43  }
0x2d: {  	[tilespmem:$0x1B0] =	vst v12  }
0x2e: {  	[tilespmem:s17], [sflag:$0x1] =	stream.indirect.gather [hbm4b:s3+s15], $0x80, s16, s15, $0xb8;
	[tilespmem:$0xA480] =	vst v63  }
0x2f: {  	_ =	swait.ge [sflag:s18], $0x2000  }
0x30: {  	[sflag:s18] =	ssyncset.done $0x0  }
0x31: {  	[sflag:s18] =	ssyncadd.s32 $0xFFFFE000  }
0x32: {  	v44 =	vld [tilespmem:$0x2300];
	_ =	sdelay $0x4  }
0x33: {  	v45 =	vadd.s32 v1, v44  }
0x34: {  	v12 =	vadd.s32 v4, v44;
	_ =	sdelay $0x2  }
0x35: {  	v46 =	vld [tilespmem:$0x2310]  }
0x36: {  	v13 =	vld.idx.msk [tilespmem:v45+s17+$0x0], $0xffff  }
0x37: {  	v12 =	vld.idx.msk [tilespmem:v12+s17+$0x0], $0xffff;
	_ =	sdelay $0x2  }
0x38: {  	v47 =	vadd.s32 v6, v46  }
0x39: {  	v14 =	vadd.s32 v7, v46  }
0x3a: {  	vm1 =	vgt.f32 v12, v13  }
0x3b: {  	v48 =	vsel vm1, $0x1, v5  }
0x3c: {  	v49 =	vld [tilespmem:$0x2320];
	[tilespmem:$0x2380] =	vst v48  }
0x3d: {  	v15 =	vld.idx.msk [tilespmem:v47+s17+$0x0], $0xffff  }
0x3e: {  	v14 =	vld.idx.msk [tilespmem:v14+s17+$0x0], $0xffff;
	_ =	sdelay $0x2  }
0x3f: {  	v17 =	vadd.s32 v8, v49  }
0x40: {  	v16 =	vadd.s32 v9, v49  }
0x41: {  	vm1 =	vgt.f32 v14, v15  }
0x42: {  	v18 =	vsel vm1, $0x1, v5  }
0x43: {  	v50 =	vld [tilespmem:$0x2330];
	[tilespmem:$0x2390] =	vst v18  }
0x44: {  	v17 =	vld.idx.msk [tilespmem:v17+s17+$0x0], $0xffff  }
0x45: {  	v16 =	vld.idx.msk [tilespmem:v16+s17+$0x0], $0xffff;
	_ =	sdelay $0x1  }
0x46: {  	v19 =	vld [tilespmem:$0x100]  }
0x47: {  	v21 =	vld [tilespmem:$0x110];
	v20 =	vadd.s32 v10, v50  }
0x48: {  	v22 =	vld [tilespmem:$0x120];
	v18 =	vadd.s32 v11, v50  }
0x49: {  	vm1 =	vgt.f32 v16, v17  }
0x4a: {  	v23 =	vsel vm1, $0x1, v5  }
0x4b: {  	v51 =	vld [tilespmem:$0x130];
	[tilespmem:$0x23A0] =	vst v23  }
0x4c: {  	v52 =	vld.idx.msk [tilespmem:v20+s17+$0x0], $0xffff  }
0x4d: {  	vm2 =	veq.s32 v21, $0x1;
	vm3 =	veq.s32 v22, $0x1;
	vm1 =	veq.s32 v19, $0x1;
	v18 =	vld.idx.msk [tilespmem:v18+s17+$0x0], $0xffff  }
0x4e: {  	v21 =	vsel vm2, v14, v15;
	v14 =	vsel vm2, v15, v14;
	v53 =	vsel vm1, v12, v13  }
0x4f: {  	v54 =	vsub.f32 $5.000000000e+00, v21;
	v55 =	vsel vm3, v16, v17;
	v20 =	vsub.f32 $5.000000000e+00, v53  }
0x50: {  	v57 =	vsel vm3, v17, v16;
	v56 =	vsub.f32 $5.000000000e+00, v55;
	v12 =	vsel vm1, v13, v12  }
0x51: {  	v13 =	vadd.f32 v54, v14;
	vm1 =	veq.s32 v51, $0x1;
	v12 =	vadd.f32 v20, v12  }
0x52: {  	v14 =	vadd.f32 v56, v57;
	v58 =	vsel vm1, v18, v52  }
0x53: {  	v13 =	vmax.f32 v13, $0.0e+00;
	v12 =	vmax.f32 v12, $0.0e+00;
	v15 =	vsub.f32 $5.000000000e+00, v58  }
0x54: {  	v13 =	vmul.f32 $5.000000000e-01, v13;
	v12 =	vmul.f32 $5.000000000e-01, v12;
	v59 =	vsel vm1, v52, v18  }
0x55: {  	v14 =	vmax.f32 v14, $0.0e+00;
	v15 =	vadd.f32 v15, v59  }
0x56: {  	v60 =	vmul.f32 $5.000000000e-01, v14;
	v12 =	vadd.f32 v13, v12  }
0x57: {  	v61 =	vmax.f32 v15, $0.0e+00  }
0x58: {  	v12 =	vadd.f32 v60, v12;
	v62 =	vmul.f32 $5.000000000e-01, v61  }
0x59: {  	vm1 =	vgt.f32 v18, v52  }
0x5a: {  	v63 =	vsel vm1, $0x1, v5;
	v12 =	vadd.f32 v62, v12  }
0x5b: {  	[tilespmem:$0x23B0] =	vst v63  }
0x5c: {  	[tilespmem:$0x2400] =	vst v12  }
0x5d: {  	[hbm4b:s6+s2] =	stream.linear.scatter [tilespmem:s19], [sflag:$0x2], $0x40, $0x38;
	[tilespmem:$0xA480] =	vst v63  }
0x5e: {  	_ =	swait.ge [sflag:s13], $0x40  }
0x5f: {  	[sflag:s13] =	ssyncset.done $0x0  }
0x60: {  	[sflag:s13] =	ssyncadd.s32 $0xFFFFFFC0  }
0x61: {  	[hbm4b:s7+s2] =	stream.linear.scatter [tilespmem:s20], [sflag:$0x2], $0x40, $0x38;
	[tilespmem:$0xA480] =	vst v63  }
0x62: {  	_ =	swait.ge [sflag:s13], $0x40  }
0x63: {  	[sflag:s13] =	ssyncset.done $0x0  }
0x64: {  	[sflag:s13] =	ssyncadd.s32 $0xFFFFFFC0  }
0x65: {  	[hbm4b:s8+s2] =	stream.linear.scatter [tilespmem:s21], [sflag:$0x2], $0x40, $0x38;
	[tilespmem:$0xA480] =	vst v63  }
0x66: {  	_ =	swait.ge [sflag:s13], $0x40  }
0x67: {  	[sflag:s13] =	ssyncset.done $0x0  }
0x68: {  	[sflag:s13] =	ssyncadd.s32 $0xFFFFFFC0  }
0x69: {  	[hbm4b:s9+s2] =	stream.linear.scatter [tilespmem:s22], [sflag:$0x2], $0x40, $0x38;
	[tilespmem:$0xA480] =	vst v63  }
0x6a: {  	s25 =	sadd.s32 $0x1, s25;
	_ =	swait.ge [sflag:s13], $0x40  }
0x6b: {  	p0 =	sne.s32 s25, s12;
	[sflag:s13] =	ssyncset.done $0x0  }
.Ltmp2:
0x6c: {  	[sflag:s13] =	ssyncadd.s32 $0xFFFFFFC0;
	(pc) =	sbr.rel @!p0 .LBB2_10-.Ltmp2, $4  }
0x6d: {  	[hbm4b:s10+s2] =	stream.linear.scatter [tilespmem:s23], [sflag:$0x2], $0x10, $0x38;
	[tilespmem:$0xA480] =	vst v63  }
0x6e: {  	_ =	swait.ge [sflag:s13], $0x10  }
0x6f: {  	[sflag:s13] =	ssyncset.done $0x0  }
0x70: {  	[sflag:s13] =	ssyncadd.s32 $0xFFFFFFF0  }
.LBB2_2:
0x71: {  	[tilespmem:s2], [sflag:$0x2] =	stream.linear.gather [hbm4b:s11+s2], $0x10, $0x38;
	[tilespmem:$0xA480] =	vst v63  }
0x72: {  	_ =	swait.ge [sflag:s13], $0x10  }
0x73: {  	[sflag:s13] =	ssyncset.done $0x0  }
0x74: {  	[sflag:s13] =	ssyncadd.s32 $0xFFFFFFF0  }
0x75: {  	v12 =	vld [tilespmem:$0x0];
	_ =	sdelay $0x4  }
0x76: {  	(v2sf) =	vpush v12, $0x0;
	_ =	sdelay $0xe  }
0x77: {  	s26 =	spop (v2sf)  }
0x78: {  	p0 =	slt.s32 s26, $0x40  }
.Ltmp3:
0x79: {  	_ = 	snop;
	(pc) =	sbr.rel @!p0 .LBB2_3-.Ltmp3, $1  }
0x7a: {  	_ =	sdelay $0x3  }
0x7b: {  	s26 =	simm.s32 $0x0  }
0x7c: {  	[tilespmem:s24], [sflag:$0x2] =	stream.linear.gather [hbm4b:s4+s26], $0x8000, $0x38;
	[tilespmem:$0xA480] =	vst v63  }
0x7d: {  	v12 =	vimm.s32 $0x0;
	v13 =	vimm.s32 $0x0;
	_ =	swait.ge [sflag:s13], $0x8000  }
0x7e: {  	v15 =	vimm.s32 $0x0;
	v14 =	vimm.s32 $0x0;
	v16 =	vimm.s32 $0x0;
	[sflag:s13] =	ssyncset.done $0x0  }
0x7f: {  	v17 =	vimm.s32 $0x0;
	v18 =	vimm.s32 $0x0;
	v19 =	vimm.s32 $0x0;
	s28 =	simm.s32 $0x0;
	[sflag:s13] =	ssyncadd.s32 $0xFFFF8000  }
.LBB2_5:
0x80: {  	s29 =	simm.s32 $0x2480  }
0x81: {  	v20 =	vld [tilespmem:s29+$0x0];
	_ =	sdelay $0x3  }
0x82: {  	v21 =	vimm.f32 $-2.000000000e+00  }
0x83: {  	v23 =	vor.u32 s26, v0;
	s30 =	simm.s32 $0x2490;
	v22 =	vimm.s32 $0x0;
	s29 =	simm.s32 $0x10;
	vm1 =	vgt.f32 v20, v21  }
.LBB2_6:
0x84: {  	p0 =	sne.s32 s29, $0x7FF0;
	v21 =	vsel vm1, v20, v21;
	v20 =	vld [tilespmem:s30+$0x0];
	v22 =	vsel vm1, v23, v22;
	s31 =	smov.u32 s29;
	s29 =	sadd.s32 $0x10, s29  }
.Ltmp4:
0x85: {  	(pc) =	sbr.rel @p0 .LBB2_6-.Ltmp4, $2  }
0x86: {  	_ =	sdelay $0x2  }
0x87: {  	s30 =	sadd.s32 $0x10, s30;
	v23 =	vor.u32 s31, v0;
	vm1 =	vgt.f32 v20, v21  }
0x88: {  	v21 =	vsel vm1, v20, v21  }
0x89: {  	v20 =	vsel vm1, v23, v22;
	(v2sf) =	vpush v21, $0x0  }
0x8a: {  	(v2sf) =	vpush v20, $0x0;
	_ =	sdelay $0x1  }
0x8b: {  	(v2sf) =	vpush v21, $0x1  }
0x8c: {  	(v2sf) =	vpush v20, $0x1;
	_ =	sdelay $0x4  }
0x8d: {  	(v2sf) =	vpush v21, $0x2  }
0x8e: {  	(v2sf) =	vpush v20, $0x2;
	_ =	sdelay $0x4  }
0x8f: {  	s30 =	spop (v2sf);
	(v2sf) =	vpush v21, $0x3  }
0x90: {  	s29 =	spop (v2sf);
	(v2sf) =	vpush v20, $0x3;
	_ =	sdelay $0x1  }
0x91: {  	s31 =	spop (v2sf)  }
0x92: {  	s0 =	spop (v2sf);
	p0 =	seq.f32 s31, s30  }
0x93: {  	p1 =	slt.s32 s0, s29  }
0x94: {  	(v2sf) =	vpush v21, $0x4;
	p2 =	sgt.f32 s31, s30;
	p0 =	por !p0, !p1  }
0x95: {  	p0 =	por !p0, !p0  }
0x96: {  	p0 =	por p2, p0  }
0x97: {  	(v2sf) =	vpush v20, $0x4;
	s30 =	smov.u32 @p0 s31;
	s29 =	smov.u32 @p0 s0;
	s0 =	spop (v2sf)  }
0x98: {  	s31 =	spop (v2sf);
	p1 =	seq.f32 s0, s30  }
0x99: {  	p2 =	slt.s32 s31, s29  }
0x9a: {  	p3 =	sgt.f32 s0, s30;
	p0 =	por !p1, !p2  }
0x9b: {  	p0 =	por !p0, !p0  }
0x9c: {  	(v2sf) =	vpush v21, $0x5;
	p0 =	por p3, p0  }
0x9d: {  	(v2sf) =	vpush v20, $0x5;
	s30 =	smov.u32 @p0 s0;
	s0 =	spop (v2sf)  }
0x9e: {  	s29 =	smov.u32 @p0 s31;
	s31 =	spop (v2sf);
	p4 =	seq.f32 s0, s30  }
0x9f: {  	p5 =	slt.s32 s31, s29  }
0xa0: {  	p6 =	sgt.f32 s0, s30;
	p0 =	por !p4, !p5  }
0xa1: {  	p0 =	por !p0, !p0  }
0xa2: {  	(v2sf) =	vpush v21, $0x6;
	p0 =	por p6, p0  }
0xa3: {  	s30 =	smov.u32 @p0 s0;
	s0 =	spop (v2sf);
	(v2sf) =	vpush v20, $0x6;
	_ =	sdelay $0x2  }
0xa4: {  	s29 =	smov.u32 @p0 s31;
	s31 =	spop (v2sf);
	p1 =	seq.f32 s0, s30  }
0xa5: {  	p2 =	slt.s32 s31, s29  }
0xa6: {  	p3 =	sgt.f32 s0, s30;
	(v2sf) =	vpush v21, $0x7;
	p0 =	por !p1, !p2  }
0xa7: {  	p0 =	por !p0, !p0  }
0xa8: {  	p0 =	por p3, p0  }
0xa9: {  	s30 =	smov.u32 @p0 s0;
	s0 =	spop (v2sf);
	(v2sf) =	vpush v20, $0x7  }
0xaa: {  	s29 =	smov.u32 @p0 s31;
	s31 =	spop (v2sf);
	p4 =	seq.f32 s0, s30  }
0xab: {  	p5 =	slt.s32 s31, s29  }
0xac: {  	p6 =	sgt.f32 s0, s30;
	p0 =	por !p4, !p5  }
0xad: {  	p0 =	por !p0, !p0  }
0xae: {  	(v2sf) =	vpush v21, $0x8;
	p0 =	por p6, p0  }
0xaf: {  	s30 =	smov.u32 @p0 s0;
	s0 =	spop (v2sf);
	(v2sf) =	vpush v20, $0x8  }
0xb0: {  	s29 =	smov.u32 @p0 s31;
	p1 =	seq.f32 s0, s30;
	s31 =	spop (v2sf)  }
0xb1: {  	p2 =	slt.s32 s31, s29  }
0xb2: {  	p3 =	sgt.f32 s0, s30;
	p0 =	por !p1, !p2  }
0xb3: {  	p0 =	por !p0, !p0  }
0xb4: {  	(v2sf) =	vpush v21, $0x9;
	p0 =	por p3, p0  }
0xb5: {  	s30 =	smov.u32 @p0 s0;
	s0 =	spop (v2sf);
	(v2sf) =	vpush v20, $0x9;
	_ =	sdelay $0x2  }
0xb6: {  	s29 =	smov.u32 @p0 s31;
	s31 =	spop (v2sf);
	p4 =	seq.f32 s0, s30  }
0xb7: {  	p5 =	slt.s32 s31, s29  }
0xb8: {  	p6 =	sgt.f32 s0, s30;
	(v2sf) =	vpush v21, $0xA;
	p0 =	por !p4, !p5  }
0xb9: {  	p0 =	por !p0, !p0  }
0xba: {  	p0 =	por p6, p0  }
0xbb: {  	s30 =	smov.u32 @p0 s0;
	s0 =	spop (v2sf);
	(v2sf) =	vpush v20, $0xA  }
0xbc: {  	s29 =	smov.u32 @p0 s31;
	s31 =	spop (v2sf);
	p1 =	seq.f32 s0, s30  }
0xbd: {  	p2 =	slt.s32 s31, s29  }
0xbe: {  	p3 =	sgt.f32 s0, s30;
	p0 =	por !p1, !p2  }
0xbf: {  	p0 =	por !p0, !p0  }
0xc0: {  	(v2sf) =	vpush v21, $0xB;
	p0 =	por p3, p0  }
0xc1: {  	s30 =	smov.u32 @p0 s0;
	s0 =	spop (v2sf);
	(v2sf) =	vpush v20, $0xB  }
0xc2: {  	s29 =	smov.u32 @p0 s31;
	p4 =	seq.f32 s0, s30;
	s31 =	spop (v2sf)  }
0xc3: {  	p5 =	slt.s32 s31, s29  }
0xc4: {  	p6 =	sgt.f32 s0, s30;
	p0 =	por !p4, !p5  }
0xc5: {  	p0 =	por !p0, !p0  }
0xc6: {  	(v2sf) =	vpush v21, $0xC;
	p0 =	por p6, p0  }
0xc7: {  	s30 =	smov.u32 @p0 s0;
	s0 =	spop (v2sf);
	(v2sf) =	vpush v20, $0xC;
	_ =	sdelay $0x2  }
0xc8: {  	s29 =	smov.u32 @p0 s31;
	s31 =	spop (v2sf);
	p1 =	seq.f32 s0, s30  }
0xc9: {  	p2 =	slt.s32 s31, s29  }
0xca: {  	p3 =	sgt.f32 s0, s30;
	(v2sf) =	vpush v21, $0xD;
	p0 =	por !p1, !p2  }
0xcb: {  	(v2sf) =	vpush v20, $0xD;
	p0 =	por !p0, !p0  }
0xcc: {  	p0 =	por p3, p0  }
0xcd: {  	s30 =	smov.u32 @p0 s0;
	s0 =	spop (v2sf)  }
0xce: {  	s29 =	smov.u32 @p0 s31;
	s31 =	spop (v2sf);
	p4 =	seq.f32 s0, s30  }
0xcf: {  	p5 =	slt.s32 s31, s29  }
0xd0: {  	(v2sf) =	vpush v21, $0xE;
	p6 =	sgt.f32 s0, s30;
	p0 =	por !p4, !p5  }
0xd1: {  	(v2sf) =	vpush v20, $0xE;
	p0 =	por !p0, !p0  }
0xd2: {  	p0 =	por p6, p0  }
0xd3: {  	s30 =	smov.u32 @p0 s0;
	s0 =	spop (v2sf)  }
0xd4: {  	s29 =	smov.u32 @p0 s31;
	p1 =	seq.f32 s0, s30;
	s31 =	spop (v2sf)  }
0xd5: {  	p2 =	slt.s32 s31, s29  }
0xd6: {  	(v2sf) =	vpush v21, $0xF;
	p3 =	sgt.f32 s0, s30;
	p0 =	por !p1, !p2  }
0xd7: {  	(v2sf) =	vpush v20, $0xF;
	p0 =	por !p0, !p0  }
0xd8: {  	p0 =	por p3, p0  }
0xd9: {  	s1 =	spop (v2sf);
	s30 =	smov.u32 @p0 s0  }
0xda: {  	s14 =	spop (v2sf);
	s29 =	smov.u32 @p0 s31;
	p4 =	seq.f32 s1, s30  }
0xdb: {  	p5 =	slt.s32 s14, s29  }
0xdc: {  	p6 =	sgt.f32 s1, s30;
	p0 =	por !p4, !p5  }
0xdd: {  	p0 =	por !p0, !p0  }
0xde: {  	p0 =	por p6, p0  }
0xdf: {  	s0 =	spop (v2sf);
	s30 =	smov.u32 @p0 s1  }
0xe0: {  	s31 =	spop (v2sf);
	s29 =	smov.u32 @p0 s14;
	p1 =	seq.f32 s0, s30  }
0xe1: {  	p2 =	slt.s32 s31, s29  }
0xe2: {  	p3 =	sgt.f32 s0, s30;
	p0 =	por !p1, !p2  }
0xe3: {  	p0 =	por !p0, !p0  }
0xe4: {  	p0 =	por p3, p0  }
0xe5: {  	s1 =	spop (v2sf);
	s30 =	smov.u32 @p0 s0  }
0xe6: {  	s29 =	smov.u32 @p0 s31;
	s0 =	spop (v2sf);
	p4 =	seq.f32 s1, s30  }
0xe7: {  	p5 =	slt.s32 s0, s29  }
0xe8: {  	p6 =	sgt.f32 s1, s30;
	p0 =	por !p4, !p5  }
0xe9: {  	p0 =	por !p0, !p0  }
0xea: {  	p0 =	por p6, p0  }
0xeb: {  	s29 =	smov.u32 @p0 s0  }
0xec: {  	s0 =	sand.u32 $0xFFFFFFF0, s29  }
0xed: {  	s31 =	sand.u32 $0xF, s29;
	v20 =	vld [tilespmem:s0+$0x2480]  }
0xee: {  	v62 =	vmov s31;
	s31 =	sshrl.u32 s28, $0x4  }
0xef: {  	vm2 =	vmmov vm0;
	vm3 =	vmmov vm0;
	vm4 =	vmmov vm0;
	s14 =	sand.u32 $0xF, s28;
	s30 =	smov.u32 @p0 s1;
	p0 =	seq.s32 s31, $0x1  }
0xf0: {  	vm5 =	vmmov vm0;
	v63 =	vmov s14;
	s28 =	sadd.s32 $0x1, s28;
	p1 =	seq.s32 s31, $0x0;
	vm3 =	vmneg @p0 vm3;
	p0 =	seq.s32 s31, $0x3  }
0xf1: {  	vm1 =	veq.s32 v62, v0;
	vm2 =	vmneg @p1 vm2;
	p1 =	seq.s32 s31, $0x2;
	vm5 =	vmneg @p0 vm5;
	p0 =	sne.s32 s28, $0x40  }
.Ltmp5:
0xf2: {  	p2 =	seq.f32 s30, $2.000000000e+00;
	vm4 =	vmneg @p1 vm4;
	v20 =	vsel vm1, $0xBF800000, v20;
	vm1 =	veq.s32 v63, v0;
	(pc) =	sbr.rel @p0 .LBB2_5-.Ltmp5, $4  }
0xf3: {  	s1 =	simm.s32 $0x1;
	vm2 =	vmand vm1, vm2;
	vm3 =	vmand vm1, vm3;
	vm4 =	vmand vm1, vm4  }
0xf4: {  	s1 =	simm.s32 @!p2 $0x0;
	vm1 =	vmand vm1, vm5;
	v19 =	vsel vm2, s29, v19;
	v18 =	vsel vm3, s29, v18  }
0xf5: {  	v17 =	vsel vm4, s29, v17;
	v16 =	vsel vm1, s29, v16;
	v14 =	vsel vm2, s1, v14  }
0xf6: {  	[tilespmem:s0+$0x2480] =	vst v20;
	v15 =	vsel vm3, s1, v15;
	v13 =	vsel vm4, s1, v13;
	v12 =	vsel vm1, s1, v12  }
.Ltmp6:
0xf7: {  	(pc) =	sbr.rel .LBB2_9-.Ltmp6, $4  }
0xf8: {  	[tilespmem:$0x80] =	vst v19  }
0xf9: {  	[tilespmem:$0x90] =	vst v18  }
0xfa: {  	[tilespmem:$0xA0] =	vst v17  }
0xfb: {  	[tilespmem:$0xB0] =	vst v16  }
.LBB2_10:
0xfc: {  	_ =	sfence.sel $0x180000  }
0xfd: {  	[bflag:$0x0] =	sbarrier.arrive $0xFFFF  }
0xfe: {  	_ =	strace $0x9000004A  }
0xff: {  	s0 =	stileid.u32;
	[bflag:$0x2] =	sbarrier.arrive $0xFFFF  }
0x100: {  	p0 =	sne.s32 s0, $0x0;
	s0 =	rddreg [dreg:$0x4]  }
0x101: {  	s0 =	sadd.s32 @!p0 $0x100000, s0  }
0x102: {  	[sflag:s0] =	ssyncadd.tile.s32 @!p0 $0x1;
	_ =	shalt  }
.Lfunc_end2:
_tile_overlayer_lowered:
.L_overlay_start_2:
0x103: {  	(tag) =	ssettag $0x2  }
0x104: {  	s0 =	rddreg [dreg:$0x0];
	s2 =	stileid.u32  }
0x105: {  	s1 =	rddreg [dreg:$0x1];
	p0 =	sne.s32 s2, $0x0  }
0x106: {  	s3 =	rddreg [dreg:$0x2];
	[bflag:$0x3] =	sbarrier.arrive $0xFFFF;
	s2 =	simm.s32 @!p0 $0x1C02  }
0x107: {  	[timem:s3], [sflag:s2] =	dma.local @!p0 [hbm:s0], s1  }
0x108: {  	s0 =	simm.s32 @!p0 $0x2  }
0x109: {  	_ =	swait.ge @!p0 [sflag:s0], s1  }
0x10a: {  	s1 =	ssub.s32 @!p0 $0x0, s1;
	[sflag:s0] =	ssyncset.done @!p0 $0x0  }
0x10b: {  	[sflag:s0] =	ssyncadd.s32 @!p0 s1  }
0x10c: {  	[bflag:$0x3] =	sbarrier.arrive $0xFFFF  }
0x10d: {  	_ =	shalt  }

</sc_bundles>
